<compile_context>
chip_gen: v7x
topology: tpu7x:2x2x1
jax: 0.10.2.dev20260603
libtpu: 0.0.44.dev20260713+nightly
codegen_flags: <defaults>
</compile_context>

<pallas_src>
import functools

import jax
import jax.numpy as jnp
from jax import lax
from jax.experimental import pallas as pl
from jax.experimental.pallas import tpu as pltpu
from jax.experimental.pallas import tpu_sc as plsc

N = 10000
E = 320000
D = 128
DH = 64
NC = 2
NS = 16
RPT = 624
TAIL = N - NS * RPT

C_B = 80
NCH_B = (E // NS) // C_B
DEPTH = 5
LAG = 2

C_A = 80
NCH_A = (E // NC // NS) // C_A

_mesh = plsc.VectorSubcoreMesh(core_axis_name="c", subcore_axis_name="s")


@functools.partial(
    pl.kernel,
    out_type=jax.ShapeDtypeStruct((NC * N,), jnp.float32),
    mesh=_mesh,
    scratch_types=[
        pltpu.VMEM((NCH_A, C_A), jnp.int32),
        pltpu.VMEM((C_A,), jnp.float32),
        pltpu.VMEM((N,), jnp.float32),
        pltpu.VMEM_SHARED((N,), jnp.float32),
        pltpu.SemaphoreType.DMA,
    ],
)
def _deg_kernel(dst_hbm, zeros_hbm, out_hbm, idx_v, ones_v, deg_v, deg_sh,
                sem):
    c = lax.axis_index("c")
    s = lax.axis_index("s")

    @pl.when(s == 0)
    def _():
        pltpu.sync_copy(zeros_hbm, deg_v)
        pltpu.sync_copy(deg_v, deg_sh)

    pltpu.sync_copy(dst_hbm.at[c, s], idx_v)
    for i in range(C_A // 16):
        ones_v[pl.ds(i * 16, 16)] = jnp.full((16,), 1.0, jnp.float32)
    plsc.subcore_barrier()

    pltpu.async_copy(ones_v, deg_sh.at[idx_v.at[0]], sem, add=True)

    def body(j, carry):
        pltpu.async_copy(ones_v, deg_sh.at[idx_v.at[j]], sem, add=True)
        pltpu.make_async_copy(ones_v, deg_sh.at[idx_v.at[j - 1]], sem).wait()
        return carry

    lax.fori_loop(1, NCH_A, body, 0)
    pltpu.make_async_copy(ones_v, deg_sh.at[idx_v.at[NCH_A - 1]], sem).wait()
    plsc.subcore_barrier()

    @pl.when(s == 0)
    def _():
        pltpu.sync_copy(deg_sh, deg_v)
        pltpu.sync_copy(deg_v, out_hbm.at[pl.ds(c * N, N)])


@functools.partial(
    pl.kernel,
    out_type=jax.ShapeDtypeStruct((NC, N, DH), jnp.float32),
    mesh=_mesh,
    scratch_types=[
        pltpu.VMEM((NCH_B, C_B), jnp.int32),
        pltpu.VMEM((NCH_B, C_B), jnp.int32),
        [pltpu.VMEM((C_B, DH), jnp.float32) for _ in range(DEPTH)],
        pltpu.VMEM_SHARED((N, DH), jnp.float32),
        pltpu.SemaphoreType.DMA((DEPTH,)),
        pltpu.SemaphoreType.DMA((DEPTH,)),
    ],
    compiler_params=pltpu.CompilerParams(use_tc_tiling_on_sc=False),
)
def _scatter_kernel(h2_hbm, src_hbm, dst_hbm, zeros_hbm, out_hbm,
                    src_v, dst_v, bufs, agg_sh, gsems, ssems):
    c = lax.axis_index("c")
    s = lax.axis_index("s")

    pltpu.sync_copy(zeros_hbm.at[pl.ds(s * RPT, RPT)],
                    agg_sh.at[pl.ds(s * RPT, RPT)])

    @pl.when(s == 0)
    def _():
        pltpu.sync_copy(zeros_hbm.at[pl.ds(NS * RPT, TAIL)],
                        agg_sh.at[pl.ds(NS * RPT, TAIL)])

    pltpu.sync_copy(src_hbm.at[c, s], src_v)
    pltpu.sync_copy(dst_hbm.at[s], dst_v)
    plsc.subcore_barrier()

    def wait_g(g, b):
        pltpu.make_async_copy(h2_hbm.at[src_v.at[g]], bufs[b],
                              gsems.at[b]).wait()

    def issue_s(g, b):
        pltpu.async_copy(bufs[b], agg_sh.at[dst_v.at[g]],
                         ssems.at[b], add=True)

    def wait_s(g, b):
        pltpu.make_async_copy(bufs[b], agg_sh.at[dst_v.at[g]],
                              ssems.at[b]).wait()

    def issue_g(g, b):
        pltpu.async_copy(h2_hbm.at[src_v.at[g]], bufs[b], gsems.at[b])

    def step(g, b, do_issue_g):
        wait_g(g, b)
        issue_s(g, b)
        wait_s(g, b)
        if do_issue_g:
            issue_g(g + DEPTH, b)

    for b in range(DEPTH):
        issue_g(b, b)
    for b in range(DEPTH):
        step(b, b, True)

    def group(q, carry):
        g0 = q * DEPTH
        for b in range(DEPTH):
            step(g0 + b, b, True)
        return carry

    lax.fori_loop(1, NCH_B // DEPTH - 1, group, 0)
    for b in range(DEPTH):
        step(NCH_B - DEPTH + b, b, False)
    plsc.subcore_barrier()

    pltpu.sync_copy(agg_sh.at[pl.ds(s * RPT, RPT)],
                    out_hbm.at[c, pl.ds(s * RPT, RPT)])

    @pl.when(s == 0)
    def _():
        pltpu.sync_copy(agg_sh.at[pl.ds(NS * RPT, TAIL)],
                        out_hbm.at[c, pl.ds(NS * RPT, TAIL)])


_ROWS_BLK = 2000
_GRID = N // _ROWS_BLK


def _mm_body(x_ref, w_ref, h_ref):
    h_ref[...] = jnp.dot(x_ref[...], w_ref[...],
                         preferred_element_type=jnp.float32)


def _scale_body(h_ref, degp_ref, h2_ref):
    deg = degp_ref[0] + degp_ref[1] + 1.0
    dis = lax.rsqrt(deg)
    h2 = h_ref[...] * dis
    h2_ref[0] = h2[:, :DH]
    h2_ref[1] = h2[:, DH:]


def _heads_body(aggp_ref, h2p_ref, degp_ref, b_ref, wmu_ref, bmu_ref,
                wlv_ref, blv_ref, mu_ref, lv_ref):
    deg = degp_ref[0] + degp_ref[1] + 1.0
    dis = lax.rsqrt(deg)
    pre = jnp.concatenate(
        [aggp_ref[0] + h2p_ref[0], aggp_ref[1] + h2p_ref[1]], axis=1)
    z = jnp.maximum(pre * dis + b_ref[...], 0.0)
    mu_ref[...] = jnp.dot(z, wmu_ref[...],
                          preferred_element_type=jnp.float32) + bmu_ref[...]
    lv_ref[...] = jnp.dot(z, wlv_ref[...],
                          preferred_element_type=jnp.float32) + blv_ref[...]


def _tc_mm(x, W):
    return pl.pallas_call(
        _mm_body,
        grid=(_GRID,),
        in_specs=[
            pl.BlockSpec((_ROWS_BLK, D), lambda i: (i, 0)),
            pl.BlockSpec((D, D), lambda i: (0, 0)),
        ],
        out_specs=pl.BlockSpec((_ROWS_BLK, D), lambda i: (i, 0)),
        out_shape=jax.ShapeDtypeStruct((N, D), jnp.float32),
    )(x, W)


def _tc_scale(h, deg_parts):
    return pl.pallas_call(
        _scale_body,
        grid=(_GRID,),
        in_specs=[
            pl.BlockSpec((_ROWS_BLK, D), lambda i: (i, 0)),
            pl.BlockSpec((NC, _ROWS_BLK, 1), lambda i: (0, i, 0)),
        ],
        out_specs=pl.BlockSpec((NC, _ROWS_BLK, DH), lambda i: (0, i, 0)),
        out_shape=jax.ShapeDtypeStruct((NC, N, DH), jnp.float32),
    )(h, deg_parts)


def _tc_heads(agg, h2, deg_parts, b, Wmu, bmu, Wlv, blv):
    return pl.pallas_call(
        _heads_body,
        grid=(_GRID,),
        in_specs=[
            pl.BlockSpec((NC, _ROWS_BLK, DH), lambda i: (0, i, 0)),
            pl.BlockSpec((NC, _ROWS_BLK, DH), lambda i: (0, i, 0)),
            pl.BlockSpec((NC, _ROWS_BLK, 1), lambda i: (0, i, 0)),
            pl.BlockSpec((1, D), lambda i: (0, 0)),
            pl.BlockSpec((D, D), lambda i: (0, 0)),
            pl.BlockSpec((1, D), lambda i: (0, 0)),
            pl.BlockSpec((D, D), lambda i: (0, 0)),
            pl.BlockSpec((1, D), lambda i: (0, 0)),
        ],
        out_specs=[
            pl.BlockSpec((_ROWS_BLK, D), lambda i: (i, 0)),
            pl.BlockSpec((_ROWS_BLK, D), lambda i: (i, 0)),
        ],
        out_shape=[
            jax.ShapeDtypeStruct((N, D), jnp.float32),
            jax.ShapeDtypeStruct((N, D), jnp.float32),
        ],
    )(agg, h2, deg_parts, b, Wmu, bmu, Wlv, blv)


def kernel(x, edge_index, W, b, Wmu, bmu, Wlv, blv):
    src = edge_index[0].astype(jnp.int32)
    dst = edge_index[1].astype(jnp.int32)

    zeros_n = jnp.zeros((N,), jnp.float32)
    deg_flat = _deg_kernel(dst.reshape(NC, NS, NCH_A, C_A), zeros_n)
    h = _tc_mm(x, W)

    degp3 = deg_flat.reshape(NC, N, 1)
    h2 = _tc_scale(h, degp3)

    zeros_nd = jnp.zeros((N, DH), jnp.float32)
    src_r = src.reshape(NS, NCH_B, C_B)
    src2 = jnp.stack([src_r, src_r + N])
    agg = _scatter_kernel(h2.reshape(NC * N, DH), src2,
                          dst.reshape(NS, NCH_B, C_B), zeros_nd)

    mu, lv = _tc_heads(agg, h2, degp3, b.reshape(1, D), Wmu,
                       bmu.reshape(1, D), Wlv, blv.reshape(1, D))
    return (mu, lv)

# --- scband reference (transcript-rebuilt; emitter-appended) ---
"""Pipeline reference for scband-variational-graph-encoder-34497177322134 (READ-ONLY COPY).

The authoritative reference and input builder live on the scoring server;
editing this copy changes nothing except your own understanding.
"""

import jax, jax.numpy as jnp
import numpy as np

N_NODES = 10000
N_EDGES = 320000
D_IN = 128
D_HID = 128


def setup_inputs(seed: int = 0) -> dict:
    key = jax.random.key(seed)
    ks = jax.random.split(key, 8)
    x = jax.random.normal(ks[0], (N_NODES, D_IN), dtype=jnp.float32)
    edge_index = jax.random.randint(ks[1], (2, N_EDGES), 0, N_NODES, dtype=jnp.int64)
    # GCNConv weight (glorot-ish) and bias
    W = jax.random.normal(ks[2], (D_IN, D_HID), dtype=jnp.float32) * (1.0 / np.sqrt(D_IN))
    b = jnp.zeros((D_HID,), dtype=jnp.float32)
    Wmu = jax.random.normal(ks[3], (D_HID, D_HID), dtype=jnp.float32) * (1.0 / np.sqrt(D_HID))
    bmu = jnp.zeros((D_HID,), dtype=jnp.float32)
    Wlv = jax.random.normal(ks[4], (D_HID, D_HID), dtype=jnp.float32) * (1.0 / np.sqrt(D_HID))
    blv = jnp.zeros((D_HID,), dtype=jnp.float32)
    return {"x": x, "edge_index": edge_index, "W": W, "b": b,
            "Wmu": Wmu, "bmu": bmu, "Wlv": Wlv, "blv": blv}


def _gcn_conv(x, edge_index, W, b):
    # PyG GCNConv: add self-loops, symmetric normalization D^-1/2 (A+I) D^-1/2 X W + b
    N = x.shape[0]
    loop = jnp.arange(N, dtype=edge_index.dtype)
    src = jnp.concatenate([edge_index[0], loop])
    dst = jnp.concatenate([edge_index[1], loop])
    ones = jnp.ones(src.shape[0], dtype=x.dtype)
    deg = jnp.zeros((N,), dtype=x.dtype).at[dst].add(ones)
    deg_inv_sqrt = jnp.where(deg > 0, 1.0 / jnp.sqrt(deg), 0.0)
    norm = deg_inv_sqrt[src] * deg_inv_sqrt[dst]
    h = x @ W
    msgs = h[src] * norm[:, None]
    out = jnp.zeros((N, h.shape[1]), dtype=x.dtype).at[dst].add(msgs)
    return out + b


def reference(x, edge_index, W, b, Wmu, bmu, Wlv, blv):
    h = _gcn_conv(x, edge_index, W, b)
    h = jax.nn.relu(h)
    mu = h @ Wmu + bmu
    logvar = h @ Wlv + blv
    return (mu, logvar)

if __name__ == "__main__":
    import jax
    _d = setup_inputs()
    print(jax.jit(kernel)(*tuple(_d.values())))

</pallas_src>

<mosaic_0001>
#map = affine_map<(d0, d1) -> (0, 0, 0, 0)>
#map1 = affine_map<(d0, d1) -> (0)>
module attributes {stable_mosaic.version = 14 : i64} {
  func.func @_deg_kernel(%arg0: i32, %arg1: i32, %arg2: memref<2x16x125x80xi32, #tpu.memory_space<hbm>>, %arg3: memref<10000xf32, #tpu.memory_space<hbm>>, %arg4: memref<20000xf32, #tpu.memory_space<hbm>>, %arg5: memref<125x80xi32, #tpu.memory_space<vmem>>, %arg6: memref<80xf32, #tpu.memory_space<vmem>>, %arg7: memref<10000xf32, #tpu.memory_space<vmem>>, %arg8: memref<10000xf32, #tpu.memory_space<vmem_shared>>, %arg9: memref<!tpu.dma_semaphore, #tpu.memory_space<semaphore_mem>>) attributes {dimension_semantics = [#tpu.dimension_semantics<core_parallel>, #tpu.dimension_semantics<subcore_parallel>], iteration_bounds = array<i64: 2, 16>, scalar_prefetch = 0 : i64, scratch_operands = 5 : i64, tpu.core_type = #tpu.core_type<sc_vector_subcore>, window_params = [{transform_indices = #map}, {transform_indices = #map1}, {transform_indices = #map1}]} {
    %eq3A = arith.constant 0 : i32
    %eq3A_0 = arith.cmpi eq, %arg1, %eq3A : i32
    %convert_element_type3A = arith.extui %eq3A_0 : i1 to i32
    %cond3A = arith.constant 0 : i32
    %cond3A_1 = arith.cmpi ne, %convert_element_type3A, %cond3A : i32
    scf.if %cond3A_1 {
      "tpu.region"() ({
        %run_scoped3A = tpu.sem_alloc : memref<!tpu.dma_semaphore, #tpu.memory_space<semaphore_mem>>
        tpu.enqueue_dma source(%arg3 : memref<10000xf32, #tpu.memory_space<hbm>>) target(%arg7 : memref<10000xf32, #tpu.memory_space<vmem>>) target_semaphore(%run_scoped3A : memref<!tpu.dma_semaphore, #tpu.memory_space<semaphore_mem>>)
        tpu.wait_dma2 semaphore(%run_scoped3A : memref<!tpu.dma_semaphore, #tpu.memory_space<semaphore_mem>>) src(%arg3 : memref<10000xf32, #tpu.memory_space<hbm>>) dst(%arg7 : memref<10000xf32, #tpu.memory_space<vmem>>)
        tpu.yield
      }) : () -> ()
      "tpu.region"() ({
        %run_scoped3A = tpu.sem_alloc : memref<!tpu.dma_semaphore, #tpu.memory_space<semaphore_mem>>
        tpu.enqueue_dma source(%arg7 : memref<10000xf32, #tpu.memory_space<vmem>>) target(%arg8 : memref<10000xf32, #tpu.memory_space<vmem_shared>>) target_semaphore(%run_scoped3A : memref<!tpu.dma_semaphore, #tpu.memory_space<semaphore_mem>>)
        tpu.wait_dma2 semaphore(%run_scoped3A : memref<!tpu.dma_semaphore, #tpu.memory_space<semaphore_mem>>) src(%arg7 : memref<10000xf32, #tpu.memory_space<vmem>>) dst(%arg8 : memref<10000xf32, #tpu.memory_space<vmem_shared>>)
        tpu.yield
      }) : () -> ()
    } else {
    }
    "tpu.region"() ({
      %run_scoped3A = tpu.sem_alloc : memref<!tpu.dma_semaphore, #tpu.memory_space<semaphore_mem>>
      %dma_start3A_51 = arith.constant 0 : i32
      %dma_start3A_52 = arith.constant 0 : i32
      %dma_start3A_53 = tpu.memref_slice %arg2[%arg0, %arg1, %dma_start3A_51, %dma_start3A_52] : memref<2x16x125x80xi32, #tpu.memory_space<hbm>> -> memref<1x1x125x80xi32, #tpu.memory_space<hbm>>
      %dma_start3A_54 = tpu.memref_squeeze %dma_start3A_53 : memref<1x1x125x80xi32, #tpu.memory_space<hbm>> -> memref<125x80xi32, #tpu.memory_space<hbm>>
      %dma_start3A_55 = arith.constant 0 : i32
      %dma_start3A_56 = arith.constant 0 : i32
      %dma_start3A_57 = tpu.memref_slice %arg2[%arg0, %arg1, %dma_start3A_55, %dma_start3A_56] : memref<2x16x125x80xi32, #tpu.memory_space<hbm>> -> memref<1x1x125x80xi32, #tpu.memory_space<hbm>>
      %dma_start3A_58 = tpu.memref_squeeze %dma_start3A_57 : memref<1x1x125x80xi32, #tpu.memory_space<hbm>> -> memref<125x80xi32, #tpu.memory_space<hbm>>
      tpu.enqueue_dma source(%dma_start3A_58 : memref<125x80xi32, #tpu.memory_space<hbm>>) target(%arg5 : memref<125x80xi32, #tpu.memory_space<vmem>>) target_semaphore(%run_scoped3A : memref<!tpu.dma_semaphore, #tpu.memory_space<semaphore_mem>>)
      %dma_wait3A_59 = arith.constant 0 : i32
      %dma_wait3A_60 = arith.constant 0 : i32
      %dma_wait3A_61 = tpu.memref_slice %arg2[%arg0, %arg1, %dma_wait3A_59, %dma_wait3A_60] : memref<2x16x125x80xi32, #tpu.memory_space<hbm>> -> memref<1x1x125x80xi32, #tpu.memory_space<hbm>>
      %dma_wait3A_62 = tpu.memref_squeeze %dma_wait3A_61 : memref<1x1x125x80xi32, #tpu.memory_space<hbm>> -> memref<125x80xi32, #tpu.memory_space<hbm>>
      %dma_wait3A_63 = arith.constant 0 : i32
      %dma_wait3A_64 = arith.constant 0 : i32
      %dma_wait3A_65 = tpu.memref_slice %arg2[%arg0, %arg1, %dma_wait3A_63, %dma_wait3A_64] : memref<2x16x125x80xi32, #tpu.memory_space<hbm>> -> memref<1x1x125x80xi32, #tpu.memory_space<hbm>>
      %dma_wait3A_66 = tpu.memref_squeeze %dma_wait3A_65 : memref<1x1x125x80xi32, #tpu.memory_space<hbm>> -> memref<125x80xi32, #tpu.memory_space<hbm>>
      tpu.wait_dma2 semaphore(%run_scoped3A : memref<!tpu.dma_semaphore, #tpu.memory_space<semaphore_mem>>) src(%dma_wait3A_66 : memref<125x80xi32, #tpu.memory_space<hbm>>) dst(%arg5 : memref<125x80xi32, #tpu.memory_space<vmem>>)
      tpu.yield
    }) : () -> ()
    %broadcast_in_dim3A = arith.constant 1.000000e+00 : f32
    %broadcast_in_dim3A_2 = vector.broadcast %broadcast_in_dim3A : f32 to vector<16xf32>
    %swap3A = arith.constant 0 : index
    %swap3A_3 = tpu.vector_load %arg6[%swap3A] {strides = array<i32>} : memref<80xf32, #tpu.memory_space<vmem>>, vector<16xf32>,
    %swap3A_4 = vector.shape_cast %swap3A_3 : vector<16xf32> to vector<16xf32>
    %swap3A_5 = vector.shape_cast %broadcast_in_dim3A_2 : vector<16xf32> to vector<16xf32>
    tpu.vector_store %arg6[%swap3A], %swap3A_5 {strides = array<i32>} : memref<80xf32, #tpu.memory_space<vmem>>, vector<16xf32>,
    %broadcast_in_dim3A_6 = arith.constant 1.000000e+00 : f32
    %broadcast_in_dim3A_7 = vector.broadcast %broadcast_in_dim3A_6 : f32 to vector<16xf32>
    %swap3A_8 = arith.constant 16 : index
    %swap3A_9 = tpu.vector_load %arg6[%swap3A_8] {strides = array<i32>} : memref<80xf32, #tpu.memory_space<vmem>>, vector<16xf32>,
    %swap3A_10 = vector.shape_cast %swap3A_9 : vector<16xf32> to vector<16xf32>
    %swap3A_11 = vector.shape_cast %broadcast_in_dim3A_7 : vector<16xf32> to vector<16xf32>
    tpu.vector_store %arg6[%swap3A_8], %swap3A_11 {strides = array<i32>} : memref<80xf32, #tpu.memory_space<vmem>>, vector<16xf32>,
    %broadcast_in_dim3A_12 = arith.constant 1.000000e+00 : f32
    %broadcast_in_dim3A_13 = vector.broadcast %broadcast_in_dim3A_12 : f32 to vector<16xf32>
    %swap3A_14 = arith.constant 32 : index
    %swap3A_15 = tpu.vector_load %arg6[%swap3A_14] {strides = array<i32>} : memref<80xf32, #tpu.memory_space<vmem>>, vector<16xf32>,
    %swap3A_16 = vector.shape_cast %swap3A_15 : vector<16xf32> to vector<16xf32>
    %swap3A_17 = vector.shape_cast %broadcast_in_dim3A_13 : vector<16xf32> to vector<16xf32>
    tpu.vector_store %arg6[%swap3A_14], %swap3A_17 {strides = array<i32>} : memref<80xf32, #tpu.memory_space<vmem>>, vector<16xf32>,
    %broadcast_in_dim3A_18 = arith.constant 1.000000e+00 : f32
    %broadcast_in_dim3A_19 = vector.broadcast %broadcast_in_dim3A_18 : f32 to vector<16xf32>
    %swap3A_20 = arith.constant 48 : index
    %swap3A_21 = tpu.vector_load %arg6[%swap3A_20] {strides = array<i32>} : memref<80xf32, #tpu.memory_space<vmem>>, vector<16xf32>,
    %swap3A_22 = vector.shape_cast %swap3A_21 : vector<16xf32> to vector<16xf32>
    %swap3A_23 = vector.shape_cast %broadcast_in_dim3A_19 : vector<16xf32> to vector<16xf32>
    tpu.vector_store %arg6[%swap3A_20], %swap3A_23 {strides = array<i32>} : memref<80xf32, #tpu.memory_space<vmem>>, vector<16xf32>,
    %broadcast_in_dim3A_24 = arith.constant 1.000000e+00 : f32
    %broadcast_in_dim3A_25 = vector.broadcast %broadcast_in_dim3A_24 : f32 to vector<16xf32>
    %swap3A_26 = arith.constant 64 : index
    %swap3A_27 = tpu.vector_load %arg6[%swap3A_26] {strides = array<i32>} : memref<80xf32, #tpu.memory_space<vmem>>, vector<16xf32>,
    %swap3A_28 = vector.shape_cast %swap3A_27 : vector<16xf32> to vector<16xf32>
    %swap3A_29 = vector.shape_cast %broadcast_in_dim3A_25 : vector<16xf32> to vector<16xf32>
    tpu.vector_store %arg6[%swap3A_26], %swap3A_29 {strides = array<i32>} : memref<80xf32, #tpu.memory_space<vmem>>, vector<16xf32>,
    %barrier3A = arith.constant 0 : index
    tpu.barrier barrier_id(%barrier3A)
    %dma_start3A = arith.constant 0 : i32
    %dma_start3A_30 = arith.constant 0 : i32
    %dma_start3A_31 = tpu.memref_slice %arg5[%dma_start3A, %dma_start3A_30] : memref<125x80xi32, #tpu.memory_space<vmem>> -> memref<1x80xi32, #tpu.memory_space<vmem>>
    %dma_start3A_32 = tpu.memref_squeeze %dma_start3A_31 : memref<1x80xi32, #tpu.memory_space<vmem>> -> memref<80xi32, #tpu.memory_space<vmem>>
    %dma_start3A_33 = arith.constant 0 : i32
    %dma_start3A_34 = tpu.memref_slice %arg8[%dma_start3A_33] : memref<10000xf32, #tpu.memory_space<vmem_shared>> -> memref<10000xf32, #tpu.memory_space<vmem_shared>>
    tpu.enqueue_indirect_dma source(%arg6 : memref<80xf32, #tpu.memory_space<vmem>>) target(%dma_start3A_34 : memref<10000xf32, #tpu.memory_space<vmem_shared>>) offsets(%dma_start3A_32 : memref<80xi32, #tpu.memory_space<vmem>>) semaphore(%arg9 : memref<!tpu.dma_semaphore, #tpu.memory_space<semaphore_mem>>) {add = true}
    %scan3A = arith.constant 0 : i32
    %scan3A_35 = arith.constant 1 : i32
    %scan3A_36 = arith.constant 124 : i32
    %scan3A_37 = arith.addi %scan3A_35, %scan3A_36 : i32
    %scan3A_38 = arith.constant 1 : i32
    scf.for %scan3A_51 = %scan3A_35 to %scan3A_37 step %scan3A_38  : i32 {
      %dma_start3A_52 = arith.constant 0 : i32
      %dma_start3A_53 = tpu.memref_slice %arg5[%scan3A_51, %dma_start3A_52] : memref<125x80xi32, #tpu.memory_space<vmem>> -> memref<1x80xi32, #tpu.memory_space<vmem>>
      %dma_start3A_54 = tpu.memref_squeeze %dma_start3A_53 : memref<1x80xi32, #tpu.memory_space<vmem>> -> memref<80xi32, #tpu.memory_space<vmem>>
      %dma_start3A_55 = arith.constant 0 : i32
      %dma_start3A_56 = tpu.memref_slice %arg8[%dma_start3A_55] : memref<10000xf32, #tpu.memory_space<vmem_shared>> -> memref<10000xf32, #tpu.memory_space<vmem_shared>>
      tpu.enqueue_indirect_dma source(%arg6 : memref<80xf32, #tpu.memory_space<vmem>>) target(%dma_start3A_56 : memref<10000xf32, #tpu.memory_space<vmem_shared>>) offsets(%dma_start3A_54 : memref<80xi32, #tpu.memory_space<vmem>>) semaphore(%arg9 : memref<!tpu.dma_semaphore, #tpu.memory_space<semaphore_mem>>) {add = true}
      %sub3A = arith.constant 1 : i32
      %sub3A_57 = arith.subi %scan3A_51, %sub3A : i32
      %dma_wait3A_58 = arith.constant 0 : i32
      %dma_wait3A_59 = tpu.memref_slice %arg5[%sub3A_57, %dma_wait3A_58] : memref<125x80xi32, #tpu.memory_space<vmem>> -> memref<1x80xi32, #tpu.memory_space<vmem>>
      %dma_wait3A_60 = tpu.memref_squeeze %dma_wait3A_59 : memref<1x80xi32, #tpu.memory_space<vmem>> -> memref<80xi32, #tpu.memory_space<vmem>>
      %dma_wait3A_61 = arith.constant 0 : i32
      %dma_wait3A_62 = tpu.memref_slice %arg8[%dma_wait3A_61] : memref<10000xf32, #tpu.memory_space<vmem_shared>> -> memref<10000xf32, #tpu.memory_space<vmem_shared>>
      tpu.wait_indirect_dma semaphore(%arg9 : memref<!tpu.dma_semaphore, #tpu.memory_space<semaphore_mem>>) src(%arg6 : memref<80xf32, #tpu.memory_space<vmem>>) dst(%dma_wait3A_62 : memref<10000xf32, #tpu.memory_space<vmem_shared>>)
    }
    %scan3A_39 = arith.constant 124 : i32
    %dma_wait3A = arith.constant 124 : i32
    %dma_wait3A_40 = arith.constant 0 : i32
    %dma_wait3A_41 = tpu.memref_slice %arg5[%dma_wait3A, %dma_wait3A_40] : memref<125x80xi32, #tpu.memory_space<vmem>> -> memref<1x80xi32, #tpu.memory_space<vmem>>
    %dma_wait3A_42 = tpu.memref_squeeze %dma_wait3A_41 : memref<1x80xi32, #tpu.memory_space<vmem>> -> memref<80xi32, #tpu.memory_space<vmem>>
    %dma_wait3A_43 = arith.constant 0 : i32
    %dma_wait3A_44 = tpu.memref_slice %arg8[%dma_wait3A_43] : memref<10000xf32, #tpu.memory_space<vmem_shared>> -> memref<10000xf32, #tpu.memory_space<vmem_shared>>
    tpu.wait_indirect_dma semaphore(%arg9 : memref<!tpu.dma_semaphore, #tpu.memory_space<semaphore_mem>>) src(%arg6 : memref<80xf32, #tpu.memory_space<vmem>>) dst(%dma_wait3A_44 : memref<10000xf32, #tpu.memory_space<vmem_shared>>)
    %barrier3A_45 = arith.constant 0 : index
    tpu.barrier barrier_id(%barrier3A_45)
    %eq3A_46 = arith.constant 0 : i32
    %eq3A_47 = arith.cmpi eq, %arg1, %eq3A_46 : i32
    %convert_element_type3A_48 = arith.extui %eq3A_47 : i1 to i32
    %cond3A_49 = arith.constant 0 : i32
    %cond3A_50 = arith.cmpi ne, %convert_element_type3A_48, %cond3A_49 : i32
    scf.if %cond3A_50 {
      "tpu.region"() ({
        %run_scoped3A = tpu.sem_alloc : memref<!tpu.dma_semaphore, #tpu.memory_space<semaphore_mem>>
        tpu.enqueue_dma source(%arg8 : memref<10000xf32, #tpu.memory_space<vmem_shared>>) target(%arg7 : memref<10000xf32, #tpu.memory_space<vmem>>) target_semaphore(%run_scoped3A : memref<!tpu.dma_semaphore, #tpu.memory_space<semaphore_mem>>)
        tpu.wait_dma2 semaphore(%run_scoped3A : memref<!tpu.dma_semaphore, #tpu.memory_space<semaphore_mem>>) src(%arg8 : memref<10000xf32, #tpu.memory_space<vmem_shared>>) dst(%arg7 : memref<10000xf32, #tpu.memory_space<vmem>>)
        tpu.yield
      }) : () -> ()
      %mul3A = arith.constant 10000 : i32
      %mul3A_51 = arith.muli %arg0, %mul3A : i32
      "tpu.region"() ({
        %run_scoped3A = tpu.sem_alloc : memref<!tpu.dma_semaphore, #tpu.memory_space<semaphore_mem>>
        %dma_start3A_52 = tpu.memref_slice %arg4[%mul3A_51] : memref<20000xf32, #tpu.memory_space<hbm>> -> memref<10000xf32, #tpu.memory_space<hbm>>
        %dma_start3A_53 = tpu.memref_slice %arg4[%mul3A_51] : memref<20000xf32, #tpu.memory_space<hbm>> -> memref<10000xf32, #tpu.memory_space<hbm>>
        tpu.enqueue_dma source(%arg7 : memref<10000xf32, #tpu.memory_space<vmem>>) target(%dma_start3A_53 : memref<10000xf32, #tpu.memory_space<hbm>>) target_semaphore(%run_scoped3A : memref<!tpu.dma_semaphore, #tpu.memory_space<semaphore_mem>>)
        %dma_wait3A_54 = tpu.memref_slice %arg4[%mul3A_51] : memref<20000xf32, #tpu.memory_space<hbm>> -> memref<10000xf32, #tpu.memory_space<hbm>>
        %dma_wait3A_55 = tpu.memref_slice %arg4[%mul3A_51] : memref<20000xf32, #tpu.memory_space<hbm>> -> memref<10000xf32, #tpu.memory_space<hbm>>
        tpu.wait_dma2 semaphore(%run_scoped3A : memref<!tpu.dma_semaphore, #tpu.memory_space<semaphore_mem>>) src(%arg7 : memref<10000xf32, #tpu.memory_space<vmem>>) dst(%dma_wait3A_55 : memref<10000xf32, #tpu.memory_space<hbm>>)
        tpu.yield
      }) : () -> ()
    } else {
    }
    return
  }
}

#map = affine_map<(d0, d1) -> (0, 0)>
#map1 = affine_map<(d0, d1) -> (0, 0, 0, 0)>
#map2 = affine_map<(d0, d1) -> (0, 0, 0)>
module attributes {stable_mosaic.version = 14 : i64} {
  func.func @_scatter_kernel(%arg0: i32, %arg1: i32, %arg2: memref<20000x64xf32, #tpu.memory_space<hbm>>, %arg3: memref<2x16x250x80xi32, #tpu.memory_space<hbm>>, %arg4: memref<16x250x80xi32, #tpu.memory_space<hbm>>, %arg5: memref<10000x64xf32, #tpu.memory_space<hbm>>, %arg6: memref<2x10000x64xf32, #tpu.memory_space<hbm>>, %arg7: memref<250x80xi32, #tpu.memory_space<vmem>>, %arg8: memref<250x80xi32, #tpu.memory_space<vmem>>, %arg9: memref<80x64xf32, #tpu.memory_space<vmem>>, %arg10: memref<80x64xf32, #tpu.memory_space<vmem>>, %arg11: memref<80x64xf32, #tpu.memory_space<vmem>>, %arg12: memref<80x64xf32, #tpu.memory_space<vmem>>, %arg13: memref<80x64xf32, #tpu.memory_space<vmem>>, %arg14: memref<10000x64xf32, #tpu.memory_space<vmem_shared>>, %arg15: memref<5x!tpu.dma_semaphore, #tpu.memory_space<semaphore_mem>>, %arg16: memref<5x!tpu.dma_semaphore, #tpu.memory_space<semaphore_mem>>) attributes {dimension_semantics = [#tpu.dimension_semantics<core_parallel>, #tpu.dimension_semantics<subcore_parallel>], iteration_bounds = array<i64: 2, 16>, scalar_prefetch = 0 : i64, scratch_operands = 10 : i64, tpu.core_type = #tpu.core_type<sc_vector_subcore>, window_params = [{transform_indices = #map}, {transform_indices = #map1}, {transform_indices = #map2}, {transform_indices = #map}, {transform_indices = #map2}]} {
    %mul3A = arith.constant 624 : i32
    %mul3A_0 = arith.muli %arg1, %mul3A : i32
    %mul3A_1 = arith.constant 624 : i32
    %mul3A_2 = arith.muli %arg1, %mul3A_1 : i32
    "tpu.region"() ({
      %run_scoped3A = tpu.sem_alloc : memref<!tpu.dma_semaphore, #tpu.memory_space<semaphore_mem>>
      %dma_start3A_418 = arith.constant 0 : i32
      %dma_start3A_419 = tpu.memref_slice %arg14[%mul3A_2, %dma_start3A_418] : memref<10000x64xf32, #tpu.memory_space<vmem_shared>> -> memref<624x64xf32, #tpu.memory_space<vmem_shared>>
      %dma_start3A_420 = arith.constant 0 : i32
      %dma_start3A_421 = tpu.memref_slice %arg5[%mul3A_0, %dma_start3A_420] : memref<10000x64xf32, #tpu.memory_space<hbm>> -> memref<624x64xf32, #tpu.memory_space<hbm>>
      tpu.enqueue_dma source(%dma_start3A_421 : memref<624x64xf32, #tpu.memory_space<hbm>>) target(%dma_start3A_419 : memref<624x64xf32, #tpu.memory_space<vmem_shared>>) target_semaphore(%run_scoped3A : memref<!tpu.dma_semaphore, #tpu.memory_space<semaphore_mem>>)
      %dma_wait3A_422 = arith.constant 0 : i32
      %dma_wait3A_423 = tpu.memref_slice %arg14[%mul3A_2, %dma_wait3A_422] : memref<10000x64xf32, #tpu.memory_space<vmem_shared>> -> memref<624x64xf32, #tpu.memory_space<vmem_shared>>
      %dma_wait3A_424 = arith.constant 0 : i32
      %dma_wait3A_425 = tpu.memref_slice %arg5[%mul3A_0, %dma_wait3A_424] : memref<10000x64xf32, #tpu.memory_space<hbm>> -> memref<624x64xf32, #tpu.memory_space<hbm>>
      tpu.wait_dma2 semaphore(%run_scoped3A : memref<!tpu.dma_semaphore, #tpu.memory_space<semaphore_mem>>) src(%dma_wait3A_425 : memref<624x64xf32, #tpu.memory_space<hbm>>) dst(%dma_wait3A_423 : memref<624x64xf32, #tpu.memory_space<vmem_shared>>)
      tpu.yield
    }) : () -> ()
    %eq3A = arith.constant 0 : i32
    %eq3A_3 = arith.cmpi eq, %arg1, %eq3A : i32
    %convert_element_type3A = arith.extui %eq3A_3 : i1 to i32
    %cond3A = arith.constant 0 : i32
    %cond3A_4 = arith.cmpi ne, %convert_element_type3A, %cond3A : i32
    scf.if %cond3A_4 {
      "tpu.region"() ({
        %run_scoped3A = tpu.sem_alloc : memref<!tpu.dma_semaphore, #tpu.memory_space<semaphore_mem>>
        %dma_start3A_418 = arith.constant 9984 : i32
        %dma_start3A_419 = arith.constant 0 : i32
        %dma_start3A_420 = tpu.memref_slice %arg14[%dma_start3A_418, %dma_start3A_419] : memref<10000x64xf32, #tpu.memory_space<vmem_shared>> -> memref<16x64xf32, #tpu.memory_space<vmem_shared>>
        %dma_start3A_421 = arith.constant 9984 : i32
        %dma_start3A_422 = arith.constant 0 : i32
        %dma_start3A_423 = tpu.memref_slice %arg5[%dma_start3A_421, %dma_start3A_422] : memref<10000x64xf32, #tpu.memory_space<hbm>> -> memref<16x64xf32, #tpu.memory_space<hbm>>
        tpu.enqueue_dma source(%dma_start3A_423 : memref<16x64xf32, #tpu.memory_space<hbm>>) target(%dma_start3A_420 : memref<16x64xf32, #tpu.memory_space<vmem_shared>>) target_semaphore(%run_scoped3A : memref<!tpu.dma_semaphore, #tpu.memory_space<semaphore_mem>>)
        %dma_wait3A_424 = arith.constant 9984 : i32
        %dma_wait3A_425 = arith.constant 0 : i32
        %dma_wait3A_426 = tpu.memref_slice %arg14[%dma_wait3A_424, %dma_wait3A_425] : memref<10000x64xf32, #tpu.memory_space<vmem_shared>> -> memref<16x64xf32, #tpu.memory_space<vmem_shared>>
        %dma_wait3A_427 = arith.constant 9984 : i32
        %dma_wait3A_428 = arith.constant 0 : i32
        %dma_wait3A_429 = tpu.memref_slice %arg5[%dma_wait3A_427, %dma_wait3A_428] : memref<10000x64xf32, #tpu.memory_space<hbm>> -> memref<16x64xf32, #tpu.memory_space<hbm>>
        tpu.wait_dma2 semaphore(%run_scoped3A : memref<!tpu.dma_semaphore, #tpu.memory_space<semaphore_mem>>) src(%dma_wait3A_429 : memref<16x64xf32, #tpu.memory_space<hbm>>) dst(%dma_wait3A_426 : memref<16x64xf32, #tpu.memory_space<vmem_shared>>)
        tpu.yield
      }) : () -> ()
    } else {
    }
    "tpu.region"() ({
      %run_scoped3A = tpu.sem_alloc : memref<!tpu.dma_semaphore, #tpu.memory_space<semaphore_mem>>
      %dma_start3A_418 = arith.constant 0 : i32
      %dma_start3A_419 = arith.constant 0 : i32
      %dma_start3A_420 = tpu.memref_slice %arg3[%arg0, %arg1, %dma_start3A_418, %dma_start3A_419] : memref<2x16x250x80xi32, #tpu.memory_space<hbm>> -> memref<1x1x250x80xi32, #tpu.memory_space<hbm>>
      %dma_start3A_421 = tpu.memref_squeeze %dma_start3A_420 : memref<1x1x250x80xi32, #tpu.memory_space<hbm>> -> memref<250x80xi32, #tpu.memory_space<hbm>>
      %dma_start3A_422 = arith.constant 0 : i32
      %dma_start3A_423 = arith.constant 0 : i32
      %dma_start3A_424 = tpu.memref_slice %arg3[%arg0, %arg1, %dma_start3A_422, %dma_start3A_423] : memref<2x16x250x80xi32, #tpu.memory_space<hbm>> -> memref<1x1x250x80xi32, #tpu.memory_space<hbm>>
      %dma_start3A_425 = tpu.memref_squeeze %dma_start3A_424 : memref<1x1x250x80xi32, #tpu.memory_space<hbm>> -> memref<250x80xi32, #tpu.memory_space<hbm>>
      tpu.enqueue_dma source(%dma_start3A_425 : memref<250x80xi32, #tpu.memory_space<hbm>>) target(%arg7 : memref<250x80xi32, #tpu.memory_space<vmem>>) target_semaphore(%run_scoped3A : memref<!tpu.dma_semaphore, #tpu.memory_space<semaphore_mem>>)
      %dma_wait3A_426 = arith.constant 0 : i32
      %dma_wait3A_427 = arith.constant 0 : i32
      %dma_wait3A_428 = tpu.memref_slice %arg3[%arg0, %arg1, %dma_wait3A_426, %dma_wait3A_427] : memref<2x16x250x80xi32, #tpu.memory_space<hbm>> -> memref<1x1x250x80xi32, #tpu.memory_space<hbm>>
      %dma_wait3A_429 = tpu.memref_squeeze %dma_wait3A_428 : memref<1x1x250x80xi32, #tpu.memory_space<hbm>> -> memref<250x80xi32, #tpu.memory_space<hbm>>
      %dma_wait3A_430 = arith.constant 0 : i32
      %dma_wait3A_431 = arith.constant 0 : i32
      %dma_wait3A_432 = tpu.memref_slice %arg3[%arg0, %arg1, %dma_wait3A_430, %dma_wait3A_431] : memref<2x16x250x80xi32, #tpu.memory_space<hbm>> -> memref<1x1x250x80xi32, #tpu.memory_space<hbm>>
      %dma_wait3A_433 = tpu.memref_squeeze %dma_wait3A_432 : memref<1x1x250x80xi32, #tpu.memory_space<hbm>> -> memref<250x80xi32, #tpu.memory_space<hbm>>
      tpu.wait_dma2 semaphore(%run_scoped3A : memref<!tpu.dma_semaphore, #tpu.memory_space<semaphore_mem>>) src(%dma_wait3A_433 : memref<250x80xi32, #tpu.memory_space<hbm>>) dst(%arg7 : memref<250x80xi32, #tpu.memory_space<vmem>>)
      tpu.yield
    }) : () -> ()
    "tpu.region"() ({
      %run_scoped3A = tpu.sem_alloc : memref<!tpu.dma_semaphore, #tpu.memory_space<semaphore_mem>>
      %dma_start3A_418 = arith.constant 0 : i32
      %dma_start3A_419 = arith.constant 0 : i32
      %dma_start3A_420 = tpu.memref_slice %arg4[%arg1, %dma_start3A_418, %dma_start3A_419] : memref<16x250x80xi32, #tpu.memory_space<hbm>> -> memref<1x250x80xi32, #tpu.memory_space<hbm>>
      %dma_start3A_421 = tpu.memref_squeeze %dma_start3A_420 : memref<1x250x80xi32, #tpu.memory_space<hbm>> -> memref<250x80xi32, #tpu.memory_space<hbm>>
      %dma_start3A_422 = arith.constant 0 : i32
      %dma_start3A_423 = arith.constant 0 : i32
      %dma_start3A_424 = tpu.memref_slice %arg4[%arg1, %dma_start3A_422, %dma_start3A_423] : memref<16x250x80xi32, #tpu.memory_space<hbm>> -> memref<1x250x80xi32, #tpu.memory_space<hbm>>
      %dma_start3A_425 = tpu.memref_squeeze %dma_start3A_424 : memref<1x250x80xi32, #tpu.memory_space<hbm>> -> memref<250x80xi32, #tpu.memory_space<hbm>>
      tpu.enqueue_dma source(%dma_start3A_425 : memref<250x80xi32, #tpu.memory_space<hbm>>) target(%arg8 : memref<250x80xi32, #tpu.memory_space<vmem>>) target_semaphore(%run_scoped3A : memref<!tpu.dma_semaphore, #tpu.memory_space<semaphore_mem>>)
      %dma_wait3A_426 = arith.constant 0 : i32
      %dma_wait3A_427 = arith.constant 0 : i32
      %dma_wait3A_428 = tpu.memref_slice %arg4[%arg1, %dma_wait3A_426, %dma_wait3A_427] : memref<16x250x80xi32, #tpu.memory_space<hbm>> -> memref<1x250x80xi32, #tpu.memory_space<hbm>>
      %dma_wait3A_429 = tpu.memref_squeeze %dma_wait3A_428 : memref<1x250x80xi32, #tpu.memory_space<hbm>> -> memref<250x80xi32, #tpu.memory_space<hbm>>
      %dma_wait3A_430 = arith.constant 0 : i32
      %dma_wait3A_431 = arith.constant 0 : i32
      %dma_wait3A_432 = tpu.memref_slice %arg4[%arg1, %dma_wait3A_430, %dma_wait3A_431] : memref<16x250x80xi32, #tpu.memory_space<hbm>> -> memref<1x250x80xi32, #tpu.memory_space<hbm>>
      %dma_wait3A_433 = tpu.memref_squeeze %dma_wait3A_432 : memref<1x250x80xi32, #tpu.memory_space<hbm>> -> memref<250x80xi32, #tpu.memory_space<hbm>>
      tpu.wait_dma2 semaphore(%run_scoped3A : memref<!tpu.dma_semaphore, #tpu.memory_space<semaphore_mem>>) src(%dma_wait3A_433 : memref<250x80xi32, #tpu.memory_space<hbm>>) dst(%arg8 : memref<250x80xi32, #tpu.memory_space<vmem>>)
      tpu.yield
    }) : () -> ()
    %barrier3A = arith.constant 0 : index
    tpu.barrier barrier_id(%barrier3A)
    %dma_start3A = arith.constant 0 : i32
    %dma_start3A_5 = arith.constant 0 : i32
    %dma_start3A_6 = arith.constant 0 : i32
    %dma_start3A_7 = tpu.memref_slice %arg7[%dma_start3A, %dma_start3A_6] : memref<250x80xi32, #tpu.memory_space<vmem>> -> memref<1x80xi32, #tpu.memory_space<vmem>>
    %dma_start3A_8 = tpu.memref_squeeze %dma_start3A_7 : memref<1x80xi32, #tpu.memory_space<vmem>> -> memref<80xi32, #tpu.memory_space<vmem>>
    %dma_start3A_9 = arith.constant 0 : i32
    %dma_start3A_10 = arith.constant 0 : i32
    %dma_start3A_11 = tpu.memref_slice %arg2[%dma_start3A_9, %dma_start3A_10] : memref<20000x64xf32, #tpu.memory_space<hbm>> -> memref<20000x64xf32, #tpu.memory_space<hbm>>
    %dma_start3A_12 = tpu.memref_slice %arg15[%dma_start3A_5] : memref<5x!tpu.dma_semaphore, #tpu.memory_space<semaphore_mem>> -> memref<1x!tpu.dma_semaphore, #tpu.memory_space<semaphore_mem>>
    %dma_start3A_13 = tpu.memref_squeeze %dma_start3A_12 : memref<1x!tpu.dma_semaphore, #tpu.memory_space<semaphore_mem>> -> memref<!tpu.dma_semaphore, #tpu.memory_space<semaphore_mem>>
    tpu.enqueue_indirect_dma source(%dma_start3A_11 : memref<20000x64xf32, #tpu.memory_space<hbm>>) target(%arg9 : memref<80x64xf32, #tpu.memory_space<vmem>>) offsets(%dma_start3A_8 : memref<80xi32, #tpu.memory_space<vmem>>) semaphore(%dma_start3A_13 : memref<!tpu.dma_semaphore, #tpu.memory_space<semaphore_mem>>)
    %dma_start3A_14 = arith.constant 1 : i32
    %dma_start3A_15 = arith.constant 1 : i32
    %dma_start3A_16 = arith.constant 0 : i32
    %dma_start3A_17 = tpu.memref_slice %arg7[%dma_start3A_14, %dma_start3A_16] : memref<250x80xi32, #tpu.memory_space<vmem>> -> memref<1x80xi32, #tpu.memory_space<vmem>>
    %dma_start3A_18 = tpu.memref_squeeze %dma_start3A_17 : memref<1x80xi32, #tpu.memory_space<vmem>> -> memref<80xi32, #tpu.memory_space<vmem>>
    %dma_start3A_19 = arith.constant 0 : i32
    %dma_start3A_20 = arith.constant 0 : i32
    %dma_start3A_21 = tpu.memref_slice %arg2[%dma_start3A_19, %dma_start3A_20] : memref<20000x64xf32, #tpu.memory_space<hbm>> -> memref<20000x64xf32, #tpu.memory_space<hbm>>
    %dma_start3A_22 = tpu.memref_slice %arg15[%dma_start3A_15] : memref<5x!tpu.dma_semaphore, #tpu.memory_space<semaphore_mem>> -> memref<1x!tpu.dma_semaphore, #tpu.memory_space<semaphore_mem>>
    %dma_start3A_23 = tpu.memref_squeeze %dma_start3A_22 : memref<1x!tpu.dma_semaphore, #tpu.memory_space<semaphore_mem>> -> memref<!tpu.dma_semaphore, #tpu.memory_space<semaphore_mem>>
    tpu.enqueue_indirect_dma source(%dma_start3A_21 : memref<20000x64xf32, #tpu.memory_space<hbm>>) target(%arg10 : memref<80x64xf32, #tpu.memory_space<vmem>>) offsets(%dma_start3A_18 : memref<80xi32, #tpu.memory_space<vmem>>) semaphore(%dma_start3A_23 : memref<!tpu.dma_semaphore, #tpu.memory_space<semaphore_mem>>)
    %dma_start3A_24 = arith.constant 2 : i32
    %dma_start3A_25 = arith.constant 2 : i32
    %dma_start3A_26 = arith.constant 0 : i32
    %dma_start3A_27 = tpu.memref_slice %arg7[%dma_start3A_24, %dma_start3A_26] : memref<250x80xi32, #tpu.memory_space<vmem>> -> memref<1x80xi32, #tpu.memory_space<vmem>>
    %dma_start3A_28 = tpu.memref_squeeze %dma_start3A_27 : memref<1x80xi32, #tpu.memory_space<vmem>> -> memref<80xi32, #tpu.memory_space<vmem>>
    %dma_start3A_29 = arith.constant 0 : i32
    %dma_start3A_30 = arith.constant 0 : i32
    %dma_start3A_31 = tpu.memref_slice %arg2[%dma_start3A_29, %dma_start3A_30] : memref<20000x64xf32, #tpu.memory_space<hbm>> -> memref<20000x64xf32, #tpu.memory_space<hbm>>
    %dma_start3A_32 = tpu.memref_slice %arg15[%dma_start3A_25] : memref<5x!tpu.dma_semaphore, #tpu.memory_space<semaphore_mem>> -> memref<1x!tpu.dma_semaphore, #tpu.memory_space<semaphore_mem>>
    %dma_start3A_33 = tpu.memref_squeeze %dma_start3A_32 : memref<1x!tpu.dma_semaphore, #tpu.memory_space<semaphore_mem>> -> memref<!tpu.dma_semaphore, #tpu.memory_space<semaphore_mem>>
    tpu.enqueue_indirect_dma source(%dma_start3A_31 : memref<20000x64xf32, #tpu.memory_space<hbm>>) target(%arg11 : memref<80x64xf32, #tpu.memory_space<vmem>>) offsets(%dma_start3A_28 : memref<80xi32, #tpu.memory_space<vmem>>) semaphore(%dma_start3A_33 : memref<!tpu.dma_semaphore, #tpu.memory_space<semaphore_mem>>)
    %dma_start3A_34 = arith.constant 3 : i32
    %dma_start3A_35 = arith.constant 3 : i32
    %dma_start3A_36 = arith.constant 0 : i32
    %dma_start3A_37 = tpu.memref_slice %arg7[%dma_start3A_34, %dma_start3A_36] : memref<250x80xi32, #tpu.memory_space<vmem>> -> memref<1x80xi32, #tpu.memory_space<vmem>>
    %dma_start3A_38 = tpu.memref_squeeze %dma_start3A_37 : memref<1x80xi32, #tpu.memory_space<vmem>> -> memref<80xi32, #tpu.memory_space<vmem>>
    %dma_start3A_39 = arith.constant 0 : i32
    %dma_start3A_40 = arith.constant 0 : i32
    %dma_start3A_41 = tpu.memref_slice %arg2[%dma_start3A_39, %dma_start3A_40] : memref<20000x64xf32, #tpu.memory_space<hbm>> -> memref<20000x64xf32, #tpu.memory_space<hbm>>
    %dma_start3A_42 = tpu.memref_slice %arg15[%dma_start3A_35] : memref<5x!tpu.dma_semaphore, #tpu.memory_space<semaphore_mem>> -> memref<1x!tpu.dma_semaphore, #tpu.memory_space<semaphore_mem>>
    %dma_start3A_43 = tpu.memref_squeeze %dma_start3A_42 : memref<1x!tpu.dma_semaphore, #tpu.memory_space<semaphore_mem>> -> memref<!tpu.dma_semaphore, #tpu.memory_space<semaphore_mem>>
    tpu.enqueue_indirect_dma source(%dma_start3A_41 : memref<20000x64xf32, #tpu.memory_space<hbm>>) target(%arg12 : memref<80x64xf32, #tpu.memory_space<vmem>>) offsets(%dma_start3A_38 : memref<80xi32, #tpu.memory_space<vmem>>) semaphore(%dma_start3A_43 : memref<!tpu.dma_semaphore, #tpu.memory_space<semaphore_mem>>)
    %dma_start3A_44 = arith.constant 4 : i32
    %dma_start3A_45 = arith.constant 4 : i32
    %dma_start3A_46 = arith.constant 0 : i32
    %dma_start3A_47 = tpu.memref_slice %arg7[%dma_start3A_44, %dma_start3A_46] : memref<250x80xi32, #tpu.memory_space<vmem>> -> memref<1x80xi32, #tpu.memory_space<vmem>>
    %dma_start3A_48 = tpu.memref_squeeze %dma_start3A_47 : memref<1x80xi32, #tpu.memory_space<vmem>> -> memref<80xi32, #tpu.memory_space<vmem>>
    %dma_start3A_49 = arith.constant 0 : i32
    %dma_start3A_50 = arith.constant 0 : i32
    %dma_start3A_51 = tpu.memref_slice %arg2[%dma_start3A_49, %dma_start3A_50] : memref<20000x64xf32, #tpu.memory_space<hbm>> -> memref<20000x64xf32, #tpu.memory_space<hbm>>
    %dma_start3A_52 = tpu.memref_slice %arg15[%dma_start3A_45] : memref<5x!tpu.dma_semaphore, #tpu.memory_space<semaphore_mem>> -> memref<1x!tpu.dma_semaphore, #tpu.memory_space<semaphore_mem>>
    %dma_start3A_53 = tpu.memref_squeeze %dma_start3A_52 : memref<1x!tpu.dma_semaphore, #tpu.memory_space<semaphore_mem>> -> memref<!tpu.dma_semaphore, #tpu.memory_space<semaphore_mem>>
    tpu.enqueue_indirect_dma source(%dma_start3A_51 : memref<20000x64xf32, #tpu.memory_space<hbm>>) target(%arg13 : memref<80x64xf32, #tpu.memory_space<vmem>>) offsets(%dma_start3A_48 : memref<80xi32, #tpu.memory_space<vmem>>) semaphore(%dma_start3A_53 : memref<!tpu.dma_semaphore, #tpu.memory_space<semaphore_mem>>)
    %dma_wait3A = arith.constant 0 : i32
    %dma_wait3A_54 = arith.constant 0 : i32
    %dma_wait3A_55 = arith.constant 0 : i32
    %dma_wait3A_56 = tpu.memref_slice %arg7[%dma_wait3A, %dma_wait3A_55] : memref<250x80xi32, #tpu.memory_space<vmem>> -> memref<1x80xi32, #tpu.memory_space<vmem>>
    %dma_wait3A_57 = tpu.memref_squeeze %dma_wait3A_56 : memref<1x80xi32, #tpu.memory_space<vmem>> -> memref<80xi32, #tpu.memory_space<vmem>>
    %dma_wait3A_58 = arith.constant 0 : i32
    %dma_wait3A_59 = arith.constant 0 : i32
    %dma_wait3A_60 = tpu.memref_slice %arg2[%dma_wait3A_58, %dma_wait3A_59] : memref<20000x64xf32, #tpu.memory_space<hbm>> -> memref<20000x64xf32, #tpu.memory_space<hbm>>
    %dma_wait3A_61 = tpu.memref_slice %arg15[%dma_wait3A_54] : memref<5x!tpu.dma_semaphore, #tpu.memory_space<semaphore_mem>> -> memref<1x!tpu.dma_semaphore, #tpu.memory_space<semaphore_mem>>
    %dma_wait3A_62 = tpu.memref_squeeze %dma_wait3A_61 : memref<1x!tpu.dma_semaphore, #tpu.memory_space<semaphore_mem>> -> memref<!tpu.dma_semaphore, #tpu.memory_space<semaphore_mem>>
    tpu.wait_indirect_dma semaphore(%dma_wait3A_62 : memref<!tpu.dma_semaphore, #tpu.memory_space<semaphore_mem>>) src(%dma_wait3A_60 : memref<20000x64xf32, #tpu.memory_space<hbm>>) dst(%arg9 : memref<80x64xf32, #tpu.memory_space<vmem>>)
    %dma_start3A_63 = arith.constant 0 : i32
    %dma_start3A_64 = arith.constant 0 : i32
    %dma_start3A_65 = arith.constant 0 : i32
    %dma_start3A_66 = tpu.memref_slice %arg8[%dma_start3A_63, %dma_start3A_65] : memref<250x80xi32, #tpu.memory_space<vmem>> -> memref<1x80xi32, #tpu.memory_space<vmem>>
    %dma_start3A_67 = tpu.memref_squeeze %dma_start3A_66 : memref<1x80xi32, #tpu.memory_space<vmem>> -> memref<80xi32, #tpu.memory_space<vmem>>
    %dma_start3A_68 = arith.constant 0 : i32
    %dma_start3A_69 = arith.constant 0 : i32
    %dma_start3A_70 = tpu.memref_slice %arg14[%dma_start3A_68, %dma_start3A_69] : memref<10000x64xf32, #tpu.memory_space<vmem_shared>> -> memref<10000x64xf32, #tpu.memory_space<vmem_shared>>
    %dma_start3A_71 = tpu.memref_slice %arg16[%dma_start3A_64] : memref<5x!tpu.dma_semaphore, #tpu.memory_space<semaphore_mem>> -> memref<1x!tpu.dma_semaphore, #tpu.memory_space<semaphore_mem>>
    %dma_start3A_72 = tpu.memref_squeeze %dma_start3A_71 : memref<1x!tpu.dma_semaphore, #tpu.memory_space<semaphore_mem>> -> memref<!tpu.dma_semaphore, #tpu.memory_space<semaphore_mem>>
    tpu.enqueue_indirect_dma source(%arg9 : memref<80x64xf32, #tpu.memory_space<vmem>>) target(%dma_start3A_70 : memref<10000x64xf32, #tpu.memory_space<vmem_shared>>) offsets(%dma_start3A_67 : memref<80xi32, #tpu.memory_space<vmem>>) semaphore(%dma_start3A_72 : memref<!tpu.dma_semaphore, #tpu.memory_space<semaphore_mem>>) {add = true}
    %dma_wait3A_73 = arith.constant 0 : i32
    %dma_wait3A_74 = arith.constant 0 : i32
    %dma_wait3A_75 = arith.constant 0 : i32
    %dma_wait3A_76 = tpu.memref_slice %arg8[%dma_wait3A_73, %dma_wait3A_75] : memref<250x80xi32, #tpu.memory_space<vmem>> -> memref<1x80xi32, #tpu.memory_space<vmem>>
    %dma_wait3A_77 = tpu.memref_squeeze %dma_wait3A_76 : memref<1x80xi32, #tpu.memory_space<vmem>> -> memref<80xi32, #tpu.memory_space<vmem>>
    %dma_wait3A_78 = arith.constant 0 : i32
    %dma_wait3A_79 = arith.constant 0 : i32
    %dma_wait3A_80 = tpu.memref_slice %arg14[%dma_wait3A_78, %dma_wait3A_79] : memref<10000x64xf32, #tpu.memory_space<vmem_shared>> -> memref<10000x64xf32, #tpu.memory_space<vmem_shared>>
    %dma_wait3A_81 = tpu.memref_slice %arg16[%dma_wait3A_74] : memref<5x!tpu.dma_semaphore, #tpu.memory_space<semaphore_mem>> -> memref<1x!tpu.dma_semaphore, #tpu.memory_space<semaphore_mem>>
    %dma_wait3A_82 = tpu.memref_squeeze %dma_wait3A_81 : memref<1x!tpu.dma_semaphore, #tpu.memory_space<semaphore_mem>> -> memref<!tpu.dma_semaphore, #tpu.memory_space<semaphore_mem>>
    tpu.wait_indirect_dma semaphore(%dma_wait3A_82 : memref<!tpu.dma_semaphore, #tpu.memory_space<semaphore_mem>>) src(%arg9 : memref<80x64xf32, #tpu.memory_space<vmem>>) dst(%dma_wait3A_80 : memref<10000x64xf32, #tpu.memory_space<vmem_shared>>)
    %dma_start3A_83 = arith.constant 5 : i32
    %dma_start3A_84 = arith.constant 0 : i32
    %dma_start3A_85 = arith.constant 0 : i32
    %dma_start3A_86 = tpu.memref_slice %arg7[%dma_start3A_83, %dma_start3A_85] : memref<250x80xi32, #tpu.memory_space<vmem>> -> memref<1x80xi32, #tpu.memory_space<vmem>>
    %dma_start3A_87 = tpu.memref_squeeze %dma_start3A_86 : memref<1x80xi32, #tpu.memory_space<vmem>> -> memref<80xi32, #tpu.memory_space<vmem>>
    %dma_start3A_88 = arith.constant 0 : i32
    %dma_start3A_89 = arith.constant 0 : i32
    %dma_start3A_90 = tpu.memref_slice %arg2[%dma_start3A_88, %dma_start3A_89] : memref<20000x64xf32, #tpu.memory_space<hbm>> -> memref<20000x64xf32, #tpu.memory_space<hbm>>
    %dma_start3A_91 = tpu.memref_slice %arg15[%dma_start3A_84] : memref<5x!tpu.dma_semaphore, #tpu.memory_space<semaphore_mem>> -> memref<1x!tpu.dma_semaphore, #tpu.memory_space<semaphore_mem>>
    %dma_start3A_92 = tpu.memref_squeeze %dma_start3A_91 : memref<1x!tpu.dma_semaphore, #tpu.memory_space<semaphore_mem>> -> memref<!tpu.dma_semaphore, #tpu.memory_space<semaphore_mem>>
    tpu.enqueue_indirect_dma source(%dma_start3A_90 : memref<20000x64xf32, #tpu.memory_space<hbm>>) target(%arg9 : memref<80x64xf32, #tpu.memory_space<vmem>>) offsets(%dma_start3A_87 : memref<80xi32, #tpu.memory_space<vmem>>) semaphore(%dma_start3A_92 : memref<!tpu.dma_semaphore, #tpu.memory_space<semaphore_mem>>)
    %dma_wait3A_93 = arith.constant 1 : i32
    %dma_wait3A_94 = arith.constant 1 : i32
    %dma_wait3A_95 = arith.constant 0 : i32
    %dma_wait3A_96 = tpu.memref_slice %arg7[%dma_wait3A_93, %dma_wait3A_95] : memref<250x80xi32, #tpu.memory_space<vmem>> -> memref<1x80xi32, #tpu.memory_space<vmem>>
    %dma_wait3A_97 = tpu.memref_squeeze %dma_wait3A_96 : memref<1x80xi32, #tpu.memory_space<vmem>> -> memref<80xi32, #tpu.memory_space<vmem>>
    %dma_wait3A_98 = arith.constant 0 : i32
    %dma_wait3A_99 = arith.constant 0 : i32
    %dma_wait3A_100 = tpu.memref_slice %arg2[%dma_wait3A_98, %dma_wait3A_99] : memref<20000x64xf32, #tpu.memory_space<hbm>> -> memref<20000x64xf32, #tpu.memory_space<hbm>>
    %dma_wait3A_101 = tpu.memref_slice %arg15[%dma_wait3A_94] : memref<5x!tpu.dma_semaphore, #tpu.memory_space<semaphore_mem>> -> memref<1x!tpu.dma_semaphore, #tpu.memory_space<semaphore_mem>>
    %dma_wait3A_102 = tpu.memref_squeeze %dma_wait3A_101 : memref<1x!tpu.dma_semaphore, #tpu.memory_space<semaphore_mem>> -> memref<!tpu.dma_semaphore, #tpu.memory_space<semaphore_mem>>
    tpu.wait_indirect_dma semaphore(%dma_wait3A_102 : memref<!tpu.dma_semaphore, #tpu.memory_space<semaphore_mem>>) src(%dma_wait3A_100 : memref<20000x64xf32, #tpu.memory_space<hbm>>) dst(%arg10 : memref<80x64xf32, #tpu.memory_space<vmem>>)
    %dma_start3A_103 = arith.constant 1 : i32
    %dma_start3A_104 = arith.constant 1 : i32
    %dma_start3A_105 = arith.constant 0 : i32
    %dma_start3A_106 = tpu.memref_slice %arg8[%dma_start3A_103, %dma_start3A_105] : memref<250x80xi32, #tpu.memory_space<vmem>> -> memref<1x80xi32, #tpu.memory_space<vmem>>
    %dma_start3A_107 = tpu.memref_squeeze %dma_start3A_106 : memref<1x80xi32, #tpu.memory_space<vmem>> -> memref<80xi32, #tpu.memory_space<vmem>>
    %dma_start3A_108 = arith.constant 0 : i32
    %dma_start3A_109 = arith.constant 0 : i32
    %dma_start3A_110 = tpu.memref_slice %arg14[%dma_start3A_108, %dma_start3A_109] : memref<10000x64xf32, #tpu.memory_space<vmem_shared>> -> memref<10000x64xf32, #tpu.memory_space<vmem_shared>>
    %dma_start3A_111 = tpu.memref_slice %arg16[%dma_start3A_104] : memref<5x!tpu.dma_semaphore, #tpu.memory_space<semaphore_mem>> -> memref<1x!tpu.dma_semaphore, #tpu.memory_space<semaphore_mem>>
    %dma_start3A_112 = tpu.memref_squeeze %dma_start3A_111 : memref<1x!tpu.dma_semaphore, #tpu.memory_space<semaphore_mem>> -> memref<!tpu.dma_semaphore, #tpu.memory_space<semaphore_mem>>
    tpu.enqueue_indirect_dma source(%arg10 : memref<80x64xf32, #tpu.memory_space<vmem>>) target(%dma_start3A_110 : memref<10000x64xf32, #tpu.memory_space<vmem_shared>>) offsets(%dma_start3A_107 : memref<80xi32, #tpu.memory_space<vmem>>) semaphore(%dma_start3A_112 : memref<!tpu.dma_semaphore, #tpu.memory_space<semaphore_mem>>) {add = true}
    %dma_wait3A_113 = arith.constant 1 : i32
    %dma_wait3A_114 = arith.constant 1 : i32
    %dma_wait3A_115 = arith.constant 0 : i32
    %dma_wait3A_116 = tpu.memref_slice %arg8[%dma_wait3A_113, %dma_wait3A_115] : memref<250x80xi32, #tpu.memory_space<vmem>> -> memref<1x80xi32, #tpu.memory_space<vmem>>
    %dma_wait3A_117 = tpu.memref_squeeze %dma_wait3A_116 : memref<1x80xi32, #tpu.memory_space<vmem>> -> memref<80xi32, #tpu.memory_space<vmem>>
    %dma_wait3A_118 = arith.constant 0 : i32
    %dma_wait3A_119 = arith.constant 0 : i32
    %dma_wait3A_120 = tpu.memref_slice %arg14[%dma_wait3A_118, %dma_wait3A_119] : memref<10000x64xf32, #tpu.memory_space<vmem_shared>> -> memref<10000x64xf32, #tpu.memory_space<vmem_shared>>
    %dma_wait3A_121 = tpu.memref_slice %arg16[%dma_wait3A_114] : memref<5x!tpu.dma_semaphore, #tpu.memory_space<semaphore_mem>> -> memref<1x!tpu.dma_semaphore, #tpu.memory_space<semaphore_mem>>
    %dma_wait3A_122 = tpu.memref_squeeze %dma_wait3A_121 : memref<1x!tpu.dma_semaphore, #tpu.memory_space<semaphore_mem>> -> memref<!tpu.dma_semaphore, #tpu.memory_space<semaphore_mem>>
    tpu.wait_indirect_dma semaphore(%dma_wait3A_122 : memref<!tpu.dma_semaphore, #tpu.memory_space<semaphore_mem>>) src(%arg10 : memref<80x64xf32, #tpu.memory_space<vmem>>) dst(%dma_wait3A_120 : memref<10000x64xf32, #tpu.memory_space<vmem_shared>>)
    %dma_start3A_123 = arith.constant 6 : i32
    %dma_start3A_124 = arith.constant 1 : i32
    %dma_start3A_125 = arith.constant 0 : i32
    %dma_start3A_126 = tpu.memref_slice %arg7[%dma_start3A_123, %dma_start3A_125] : memref<250x80xi32, #tpu.memory_space<vmem>> -> memref<1x80xi32, #tpu.memory_space<vmem>>
    %dma_start3A_127 = tpu.memref_squeeze %dma_start3A_126 : memref<1x80xi32, #tpu.memory_space<vmem>> -> memref<80xi32, #tpu.memory_space<vmem>>
    %dma_start3A_128 = arith.constant 0 : i32
    %dma_start3A_129 = arith.constant 0 : i32
    %dma_start3A_130 = tpu.memref_slice %arg2[%dma_start3A_128, %dma_start3A_129] : memref<20000x64xf32, #tpu.memory_space<hbm>> -> memref<20000x64xf32, #tpu.memory_space<hbm>>
    %dma_start3A_131 = tpu.memref_slice %arg15[%dma_start3A_124] : memref<5x!tpu.dma_semaphore, #tpu.memory_space<semaphore_mem>> -> memref<1x!tpu.dma_semaphore, #tpu.memory_space<semaphore_mem>>
    %dma_start3A_132 = tpu.memref_squeeze %dma_start3A_131 : memref<1x!tpu.dma_semaphore, #tpu.memory_space<semaphore_mem>> -> memref<!tpu.dma_semaphore, #tpu.memory_space<semaphore_mem>>
    tpu.enqueue_indirect_dma source(%dma_start3A_130 : memref<20000x64xf32, #tpu.memory_space<hbm>>) target(%arg10 : memref<80x64xf32, #tpu.memory_space<vmem>>) offsets(%dma_start3A_127 : memref<80xi32, #tpu.memory_space<vmem>>) semaphore(%dma_start3A_132 : memref<!tpu.dma_semaphore, #tpu.memory_space<semaphore_mem>>)
    %dma_wait3A_133 = arith.constant 2 : i32
    %dma_wait3A_134 = arith.constant 2 : i32
    %dma_wait3A_135 = arith.constant 0 : i32
    %dma_wait3A_136 = tpu.memref_slice %arg7[%dma_wait3A_133, %dma_wait3A_135] : memref<250x80xi32, #tpu.memory_space<vmem>> -> memref<1x80xi32, #tpu.memory_space<vmem>>
    %dma_wait3A_137 = tpu.memref_squeeze %dma_wait3A_136 : memref<1x80xi32, #tpu.memory_space<vmem>> -> memref<80xi32, #tpu.memory_space<vmem>>
    %dma_wait3A_138 = arith.constant 0 : i32
    %dma_wait3A_139 = arith.constant 0 : i32
    %dma_wait3A_140 = tpu.memref_slice %arg2[%dma_wait3A_138, %dma_wait3A_139] : memref<20000x64xf32, #tpu.memory_space<hbm>> -> memref<20000x64xf32, #tpu.memory_space<hbm>>
    %dma_wait3A_141 = tpu.memref_slice %arg15[%dma_wait3A_134] : memref<5x!tpu.dma_semaphore, #tpu.memory_space<semaphore_mem>> -> memref<1x!tpu.dma_semaphore, #tpu.memory_space<semaphore_mem>>
    %dma_wait3A_142 = tpu.memref_squeeze %dma_wait3A_141 : memref<1x!tpu.dma_semaphore, #tpu.memory_space<semaphore_mem>> -> memref<!tpu.dma_semaphore, #tpu.memory_space<semaphore_mem>>
    tpu.wait_indirect_dma semaphore(%dma_wait3A_142 : memref<!tpu.dma_semaphore, #tpu.memory_space<semaphore_mem>>) src(%dma_wait3A_140 : memref<20000x64xf32, #tpu.memory_space<hbm>>) dst(%arg11 : memref<80x64xf32, #tpu.memory_space<vmem>>)
    %dma_start3A_143 = arith.constant 2 : i32
    %dma_start3A_144 = arith.constant 2 : i32
    %dma_start3A_145 = arith.constant 0 : i32
    %dma_start3A_146 = tpu.memref_slice %arg8[%dma_start3A_143, %dma_start3A_145] : memref<250x80xi32, #tpu.memory_space<vmem>> -> memref<1x80xi32, #tpu.memory_space<vmem>>
    %dma_start3A_147 = tpu.memref_squeeze %dma_start3A_146 : memref<1x80xi32, #tpu.memory_space<vmem>> -> memref<80xi32, #tpu.memory_space<vmem>>
    %dma_start3A_148 = arith.constant 0 : i32
    %dma_start3A_149 = arith.constant 0 : i32
    %dma_start3A_150 = tpu.memref_slice %arg14[%dma_start3A_148, %dma_start3A_149] : memref<10000x64xf32, #tpu.memory_space<vmem_shared>> -> memref<10000x64xf32, #tpu.memory_space<vmem_shared>>
    %dma_start3A_151 = tpu.memref_slice %arg16[%dma_start3A_144] : memref<5x!tpu.dma_semaphore, #tpu.memory_space<semaphore_mem>> -> memref<1x!tpu.dma_semaphore, #tpu.memory_space<semaphore_mem>>
    %dma_start3A_152 = tpu.memref_squeeze %dma_start3A_151 : memref<1x!tpu.dma_semaphore, #tpu.memory_space<semaphore_mem>> -> memref<!tpu.dma_semaphore, #tpu.memory_space<semaphore_mem>>
    tpu.enqueue_indirect_dma source(%arg11 : memref<80x64xf32, #tpu.memory_space<vmem>>) target(%dma_start3A_150 : memref<10000x64xf32, #tpu.memory_space<vmem_shared>>) offsets(%dma_start3A_147 : memref<80xi32, #tpu.memory_space<vmem>>) semaphore(%dma_start3A_152 : memref<!tpu.dma_semaphore, #tpu.memory_space<semaphore_mem>>) {add = true}
    %dma_wait3A_153 = arith.constant 2 : i32
    %dma_wait3A_154 = arith.constant 2 : i32
    %dma_wait3A_155 = arith.constant 0 : i32
    %dma_wait3A_156 = tpu.memref_slice %arg8[%dma_wait3A_153, %dma_wait3A_155] : memref<250x80xi32, #tpu.memory_space<vmem>> -> memref<1x80xi32, #tpu.memory_space<vmem>>
    %dma_wait3A_157 = tpu.memref_squeeze %dma_wait3A_156 : memref<1x80xi32, #tpu.memory_space<vmem>> -> memref<80xi32, #tpu.memory_space<vmem>>
    %dma_wait3A_158 = arith.constant 0 : i32
    %dma_wait3A_159 = arith.constant 0 : i32
    %dma_wait3A_160 = tpu.memref_slice %arg14[%dma_wait3A_158, %dma_wait3A_159] : memref<10000x64xf32, #tpu.memory_space<vmem_shared>> -> memref<10000x64xf32, #tpu.memory_space<vmem_shared>>
    %dma_wait3A_161 = tpu.memref_slice %arg16[%dma_wait3A_154] : memref<5x!tpu.dma_semaphore, #tpu.memory_space<semaphore_mem>> -> memref<1x!tpu.dma_semaphore, #tpu.memory_space<semaphore_mem>>
    %dma_wait3A_162 = tpu.memref_squeeze %dma_wait3A_161 : memref<1x!tpu.dma_semaphore, #tpu.memory_space<semaphore_mem>> -> memref<!tpu.dma_semaphore, #tpu.memory_space<semaphore_mem>>
    tpu.wait_indirect_dma semaphore(%dma_wait3A_162 : memref<!tpu.dma_semaphore, #tpu.memory_space<semaphore_mem>>) src(%arg11 : memref<80x64xf32, #tpu.memory_space<vmem>>) dst(%dma_wait3A_160 : memref<10000x64xf32, #tpu.memory_space<vmem_shared>>)
    %dma_start3A_163 = arith.constant 7 : i32
    %dma_start3A_164 = arith.constant 2 : i32
    %dma_start3A_165 = arith.constant 0 : i32
    %dma_start3A_166 = tpu.memref_slice %arg7[%dma_start3A_163, %dma_start3A_165] : memref<250x80xi32, #tpu.memory_space<vmem>> -> memref<1x80xi32, #tpu.memory_space<vmem>>
    %dma_start3A_167 = tpu.memref_squeeze %dma_start3A_166 : memref<1x80xi32, #tpu.memory_space<vmem>> -> memref<80xi32, #tpu.memory_space<vmem>>
    %dma_start3A_168 = arith.constant 0 : i32
    %dma_start3A_169 = arith.constant 0 : i32
    %dma_start3A_170 = tpu.memref_slice %arg2[%dma_start3A_168, %dma_start3A_169] : memref<20000x64xf32, #tpu.memory_space<hbm>> -> memref<20000x64xf32, #tpu.memory_space<hbm>>
    %dma_start3A_171 = tpu.memref_slice %arg15[%dma_start3A_164] : memref<5x!tpu.dma_semaphore, #tpu.memory_space<semaphore_mem>> -> memref<1x!tpu.dma_semaphore, #tpu.memory_space<semaphore_mem>>
    %dma_start3A_172 = tpu.memref_squeeze %dma_start3A_171 : memref<1x!tpu.dma_semaphore, #tpu.memory_space<semaphore_mem>> -> memref<!tpu.dma_semaphore, #tpu.memory_space<semaphore_mem>>
    tpu.enqueue_indirect_dma source(%dma_start3A_170 : memref<20000x64xf32, #tpu.memory_space<hbm>>) target(%arg11 : memref<80x64xf32, #tpu.memory_space<vmem>>) offsets(%dma_start3A_167 : memref<80xi32, #tpu.memory_space<vmem>>) semaphore(%dma_start3A_172 : memref<!tpu.dma_semaphore, #tpu.memory_space<semaphore_mem>>)
    %dma_wait3A_173 = arith.constant 3 : i32
    %dma_wait3A_174 = arith.constant 3 : i32
    %dma_wait3A_175 = arith.constant 0 : i32
    %dma_wait3A_176 = tpu.memref_slice %arg7[%dma_wait3A_173, %dma_wait3A_175] : memref<250x80xi32, #tpu.memory_space<vmem>> -> memref<1x80xi32, #tpu.memory_space<vmem>>
    %dma_wait3A_177 = tpu.memref_squeeze %dma_wait3A_176 : memref<1x80xi32, #tpu.memory_space<vmem>> -> memref<80xi32, #tpu.memory_space<vmem>>
    %dma_wait3A_178 = arith.constant 0 : i32
    %dma_wait3A_179 = arith.constant 0 : i32
    %dma_wait3A_180 = tpu.memref_slice %arg2[%dma_wait3A_178, %dma_wait3A_179] : memref<20000x64xf32, #tpu.memory_space<hbm>> -> memref<20000x64xf32, #tpu.memory_space<hbm>>
    %dma_wait3A_181 = tpu.memref_slice %arg15[%dma_wait3A_174] : memref<5x!tpu.dma_semaphore, #tpu.memory_space<semaphore_mem>> -> memref<1x!tpu.dma_semaphore, #tpu.memory_space<semaphore_mem>>
    %dma_wait3A_182 = tpu.memref_squeeze %dma_wait3A_181 : memref<1x!tpu.dma_semaphore, #tpu.memory_space<semaphore_mem>> -> memref<!tpu.dma_semaphore, #tpu.memory_space<semaphore_mem>>
    tpu.wait_indirect_dma semaphore(%dma_wait3A_182 : memref<!tpu.dma_semaphore, #tpu.memory_space<semaphore_mem>>) src(%dma_wait3A_180 : memref<20000x64xf32, #tpu.memory_space<hbm>>) dst(%arg12 : memref<80x64xf32, #tpu.memory_space<vmem>>)
    %dma_start3A_183 = arith.constant 3 : i32
    %dma_start3A_184 = arith.constant 3 : i32
    %dma_start3A_185 = arith.constant 0 : i32
    %dma_start3A_186 = tpu.memref_slice %arg8[%dma_start3A_183, %dma_start3A_185] : memref<250x80xi32, #tpu.memory_space<vmem>> -> memref<1x80xi32, #tpu.memory_space<vmem>>
    %dma_start3A_187 = tpu.memref_squeeze %dma_start3A_186 : memref<1x80xi32, #tpu.memory_space<vmem>> -> memref<80xi32, #tpu.memory_space<vmem>>
    %dma_start3A_188 = arith.constant 0 : i32
    %dma_start3A_189 = arith.constant 0 : i32
    %dma_start3A_190 = tpu.memref_slice %arg14[%dma_start3A_188, %dma_start3A_189] : memref<10000x64xf32, #tpu.memory_space<vmem_shared>> -> memref<10000x64xf32, #tpu.memory_space<vmem_shared>>
    %dma_start3A_191 = tpu.memref_slice %arg16[%dma_start3A_184] : memref<5x!tpu.dma_semaphore, #tpu.memory_space<semaphore_mem>> -> memref<1x!tpu.dma_semaphore, #tpu.memory_space<semaphore_mem>>
    %dma_start3A_192 = tpu.memref_squeeze %dma_start3A_191 : memref<1x!tpu.dma_semaphore, #tpu.memory_space<semaphore_mem>> -> memref<!tpu.dma_semaphore, #tpu.memory_space<semaphore_mem>>
    tpu.enqueue_indirect_dma source(%arg12 : memref<80x64xf32, #tpu.memory_space<vmem>>) target(%dma_start3A_190 : memref<10000x64xf32, #tpu.memory_space<vmem_shared>>) offsets(%dma_start3A_187 : memref<80xi32, #tpu.memory_space<vmem>>) semaphore(%dma_start3A_192 : memref<!tpu.dma_semaphore, #tpu.memory_space<semaphore_mem>>) {add = true}
    %dma_wait3A_193 = arith.constant 3 : i32
    %dma_wait3A_194 = arith.constant 3 : i32
    %dma_wait3A_195 = arith.constant 0 : i32
    %dma_wait3A_196 = tpu.memref_slice %arg8[%dma_wait3A_193, %dma_wait3A_195] : memref<250x80xi32, #tpu.memory_space<vmem>> -> memref<1x80xi32, #tpu.memory_space<vmem>>
    %dma_wait3A_197 = tpu.memref_squeeze %dma_wait3A_196 : memref<1x80xi32, #tpu.memory_space<vmem>> -> memref<80xi32, #tpu.memory_space<vmem>>
    %dma_wait3A_198 = arith.constant 0 : i32
    %dma_wait3A_199 = arith.constant 0 : i32
    %dma_wait3A_200 = tpu.memref_slice %arg14[%dma_wait3A_198, %dma_wait3A_199] : memref<10000x64xf32, #tpu.memory_space<vmem_shared>> -> memref<10000x64xf32, #tpu.memory_space<vmem_shared>>
    %dma_wait3A_201 = tpu.memref_slice %arg16[%dma_wait3A_194] : memref<5x!tpu.dma_semaphore, #tpu.memory_space<semaphore_mem>> -> memref<1x!tpu.dma_semaphore, #tpu.memory_space<semaphore_mem>>
    %dma_wait3A_202 = tpu.memref_squeeze %dma_wait3A_201 : memref<1x!tpu.dma_semaphore, #tpu.memory_space<semaphore_mem>> -> memref<!tpu.dma_semaphore, #tpu.memory_space<semaphore_mem>>
    tpu.wait_indirect_dma semaphore(%dma_wait3A_202 : memref<!tpu.dma_semaphore, #tpu.memory_space<semaphore_mem>>) src(%arg12 : memref<80x64xf32, #tpu.memory_space<vmem>>) dst(%dma_wait3A_200 : memref<10000x64xf32, #tpu.memory_space<vmem_shared>>)
    %dma_start3A_203 = arith.constant 8 : i32
    %dma_start3A_204 = arith.constant 3 : i32
    %dma_start3A_205 = arith.constant 0 : i32
    %dma_start3A_206 = tpu.memref_slice %arg7[%dma_start3A_203, %dma_start3A_205] : memref<250x80xi32, #tpu.memory_space<vmem>> -> memref<1x80xi32, #tpu.memory_space<vmem>>
    %dma_start3A_207 = tpu.memref_squeeze %dma_start3A_206 : memref<1x80xi32, #tpu.memory_space<vmem>> -> memref<80xi32, #tpu.memory_space<vmem>>
    %dma_start3A_208 = arith.constant 0 : i32
    %dma_start3A_209 = arith.constant 0 : i32
    %dma_start3A_210 = tpu.memref_slice %arg2[%dma_start3A_208, %dma_start3A_209] : memref<20000x64xf32, #tpu.memory_space<hbm>> -> memref<20000x64xf32, #tpu.memory_space<hbm>>
    %dma_start3A_211 = tpu.memref_slice %arg15[%dma_start3A_204] : memref<5x!tpu.dma_semaphore, #tpu.memory_space<semaphore_mem>> -> memref<1x!tpu.dma_semaphore, #tpu.memory_space<semaphore_mem>>
    %dma_start3A_212 = tpu.memref_squeeze %dma_start3A_211 : memref<1x!tpu.dma_semaphore, #tpu.memory_space<semaphore_mem>> -> memref<!tpu.dma_semaphore, #tpu.memory_space<semaphore_mem>>
    tpu.enqueue_indirect_dma source(%dma_start3A_210 : memref<20000x64xf32, #tpu.memory_space<hbm>>) target(%arg12 : memref<80x64xf32, #tpu.memory_space<vmem>>) offsets(%dma_start3A_207 : memref<80xi32, #tpu.memory_space<vmem>>) semaphore(%dma_start3A_212 : memref<!tpu.dma_semaphore, #tpu.memory_space<semaphore_mem>>)
    %dma_wait3A_213 = arith.constant 4 : i32
    %dma_wait3A_214 = arith.constant 4 : i32
    %dma_wait3A_215 = arith.constant 0 : i32
    %dma_wait3A_216 = tpu.memref_slice %arg7[%dma_wait3A_213, %dma_wait3A_215] : memref<250x80xi32, #tpu.memory_space<vmem>> -> memref<1x80xi32, #tpu.memory_space<vmem>>
    %dma_wait3A_217 = tpu.memref_squeeze %dma_wait3A_216 : memref<1x80xi32, #tpu.memory_space<vmem>> -> memref<80xi32, #tpu.memory_space<vmem>>
    %dma_wait3A_218 = arith.constant 0 : i32
    %dma_wait3A_219 = arith.constant 0 : i32
    %dma_wait3A_220 = tpu.memref_slice %arg2[%dma_wait3A_218, %dma_wait3A_219] : memref<20000x64xf32, #tpu.memory_space<hbm>> -> memref<20000x64xf32, #tpu.memory_space<hbm>>
    %dma_wait3A_221 = tpu.memref_slice %arg15[%dma_wait3A_214] : memref<5x!tpu.dma_semaphore, #tpu.memory_space<semaphore_mem>> -> memref<1x!tpu.dma_semaphore, #tpu.memory_space<semaphore_mem>>
    %dma_wait3A_222 = tpu.memref_squeeze %dma_wait3A_221 : memref<1x!tpu.dma_semaphore, #tpu.memory_space<semaphore_mem>> -> memref<!tpu.dma_semaphore, #tpu.memory_space<semaphore_mem>>
    tpu.wait_indirect_dma semaphore(%dma_wait3A_222 : memref<!tpu.dma_semaphore, #tpu.memory_space<semaphore_mem>>) src(%dma_wait3A_220 : memref<20000x64xf32, #tpu.memory_space<hbm>>) dst(%arg13 : memref<80x64xf32, #tpu.memory_space<vmem>>)
    %dma_start3A_223 = arith.constant 4 : i32
    %dma_start3A_224 = arith.constant 4 : i32
    %dma_start3A_225 = arith.constant 0 : i32
    %dma_start3A_226 = tpu.memref_slice %arg8[%dma_start3A_223, %dma_start3A_225] : memref<250x80xi32, #tpu.memory_space<vmem>> -> memref<1x80xi32, #tpu.memory_space<vmem>>
    %dma_start3A_227 = tpu.memref_squeeze %dma_start3A_226 : memref<1x80xi32, #tpu.memory_space<vmem>> -> memref<80xi32, #tpu.memory_space<vmem>>
    %dma_start3A_228 = arith.constant 0 : i32
    %dma_start3A_229 = arith.constant 0 : i32
    %dma_start3A_230 = tpu.memref_slice %arg14[%dma_start3A_228, %dma_start3A_229] : memref<10000x64xf32, #tpu.memory_space<vmem_shared>> -> memref<10000x64xf32, #tpu.memory_space<vmem_shared>>
    %dma_start3A_231 = tpu.memref_slice %arg16[%dma_start3A_224] : memref<5x!tpu.dma_semaphore, #tpu.memory_space<semaphore_mem>> -> memref<1x!tpu.dma_semaphore, #tpu.memory_space<semaphore_mem>>
    %dma_start3A_232 = tpu.memref_squeeze %dma_start3A_231 : memref<1x!tpu.dma_semaphore, #tpu.memory_space<semaphore_mem>> -> memref<!tpu.dma_semaphore, #tpu.memory_space<semaphore_mem>>
    tpu.enqueue_indirect_dma source(%arg13 : memref<80x64xf32, #tpu.memory_space<vmem>>) target(%dma_start3A_230 : memref<10000x64xf32, #tpu.memory_space<vmem_shared>>) offsets(%dma_start3A_227 : memref<80xi32, #tpu.memory_space<vmem>>) semaphore(%dma_start3A_232 : memref<!tpu.dma_semaphore, #tpu.memory_space<semaphore_mem>>) {add = true}
    %dma_wait3A_233 = arith.constant 4 : i32
    %dma_wait3A_234 = arith.constant 4 : i32
    %dma_wait3A_235 = arith.constant 0 : i32
    %dma_wait3A_236 = tpu.memref_slice %arg8[%dma_wait3A_233, %dma_wait3A_235] : memref<250x80xi32, #tpu.memory_space<vmem>> -> memref<1x80xi32, #tpu.memory_space<vmem>>
    %dma_wait3A_237 = tpu.memref_squeeze %dma_wait3A_236 : memref<1x80xi32, #tpu.memory_space<vmem>> -> memref<80xi32, #tpu.memory_space<vmem>>
    %dma_wait3A_238 = arith.constant 0 : i32
    %dma_wait3A_239 = arith.constant 0 : i32
    %dma_wait3A_240 = tpu.memref_slice %arg14[%dma_wait3A_238, %dma_wait3A_239] : memref<10000x64xf32, #tpu.memory_space<vmem_shared>> -> memref<10000x64xf32, #tpu.memory_space<vmem_shared>>
    %dma_wait3A_241 = tpu.memref_slice %arg16[%dma_wait3A_234] : memref<5x!tpu.dma_semaphore, #tpu.memory_space<semaphore_mem>> -> memref<1x!tpu.dma_semaphore, #tpu.memory_space<semaphore_mem>>
    %dma_wait3A_242 = tpu.memref_squeeze %dma_wait3A_241 : memref<1x!tpu.dma_semaphore, #tpu.memory_space<semaphore_mem>> -> memref<!tpu.dma_semaphore, #tpu.memory_space<semaphore_mem>>
    tpu.wait_indirect_dma semaphore(%dma_wait3A_242 : memref<!tpu.dma_semaphore, #tpu.memory_space<semaphore_mem>>) src(%arg13 : memref<80x64xf32, #tpu.memory_space<vmem>>) dst(%dma_wait3A_240 : memref<10000x64xf32, #tpu.memory_space<vmem_shared>>)
    %dma_start3A_243 = arith.constant 9 : i32
    %dma_start3A_244 = arith.constant 4 : i32
    %dma_start3A_245 = arith.constant 0 : i32
    %dma_start3A_246 = tpu.memref_slice %arg7[%dma_start3A_243, %dma_start3A_245] : memref<250x80xi32, #tpu.memory_space<vmem>> -> memref<1x80xi32, #tpu.memory_space<vmem>>
    %dma_start3A_247 = tpu.memref_squeeze %dma_start3A_246 : memref<1x80xi32, #tpu.memory_space<vmem>> -> memref<80xi32, #tpu.memory_space<vmem>>
    %dma_start3A_248 = arith.constant 0 : i32
    %dma_start3A_249 = arith.constant 0 : i32
    %dma_start3A_250 = tpu.memref_slice %arg2[%dma_start3A_248, %dma_start3A_249] : memref<20000x64xf32, #tpu.memory_space<hbm>> -> memref<20000x64xf32, #tpu.memory_space<hbm>>
    %dma_start3A_251 = tpu.memref_slice %arg15[%dma_start3A_244] : memref<5x!tpu.dma_semaphore, #tpu.memory_space<semaphore_mem>> -> memref<1x!tpu.dma_semaphore, #tpu.memory_space<semaphore_mem>>
    %dma_start3A_252 = tpu.memref_squeeze %dma_start3A_251 : memref<1x!tpu.dma_semaphore, #tpu.memory_space<semaphore_mem>> -> memref<!tpu.dma_semaphore, #tpu.memory_space<semaphore_mem>>
    tpu.enqueue_indirect_dma source(%dma_start3A_250 : memref<20000x64xf32, #tpu.memory_space<hbm>>) target(%arg13 : memref<80x64xf32, #tpu.memory_space<vmem>>) offsets(%dma_start3A_247 : memref<80xi32, #tpu.memory_space<vmem>>) semaphore(%dma_start3A_252 : memref<!tpu.dma_semaphore, #tpu.memory_space<semaphore_mem>>)
    %scan3A = arith.constant 0 : i32
    %scan3A_253 = arith.constant 1 : i32
    %scan3A_254 = arith.constant 48 : i32
    %scan3A_255 = arith.addi %scan3A_253, %scan3A_254 : i32
    %scan3A_256 = arith.constant 1 : i32
    scf.for %scan3A_418 = %scan3A_253 to %scan3A_255 step %scan3A_256  : i32 {
      %mul3A_419 = arith.constant 5 : i32
      %mul3A_420 = arith.muli %scan3A_418, %mul3A_419 : i32
      %add3A = arith.constant 0 : i32
      %add3A_421 = arith.addi %mul3A_420, %add3A : i32
      %dma_wait3A_422 = arith.constant 0 : i32
      %dma_wait3A_423 = arith.constant 0 : i32
      %dma_wait3A_424 = tpu.memref_slice %arg7[%add3A_421, %dma_wait3A_423] : memref<250x80xi32, #tpu.memory_space<vmem>> -> memref<1x80xi32, #tpu.memory_space<vmem>>
      %dma_wait3A_425 = tpu.memref_squeeze %dma_wait3A_424 : memref<1x80xi32, #tpu.memory_space<vmem>> -> memref<80xi32, #tpu.memory_space<vmem>>
      %dma_wait3A_426 = arith.constant 0 : i32
      %dma_wait3A_427 = arith.constant 0 : i32
      %dma_wait3A_428 = tpu.memref_slice %arg2[%dma_wait3A_426, %dma_wait3A_427] : memref<20000x64xf32, #tpu.memory_space<hbm>> -> memref<20000x64xf32, #tpu.memory_space<hbm>>
      %dma_wait3A_429 = tpu.memref_slice %arg15[%dma_wait3A_422] : memref<5x!tpu.dma_semaphore, #tpu.memory_space<semaphore_mem>> -> memref<1x!tpu.dma_semaphore, #tpu.memory_space<semaphore_mem>>
      %dma_wait3A_430 = tpu.memref_squeeze %dma_wait3A_429 : memref<1x!tpu.dma_semaphore, #tpu.memory_space<semaphore_mem>> -> memref<!tpu.dma_semaphore, #tpu.memory_space<semaphore_mem>>
      tpu.wait_indirect_dma semaphore(%dma_wait3A_430 : memref<!tpu.dma_semaphore, #tpu.memory_space<semaphore_mem>>) src(%dma_wait3A_428 : memref<20000x64xf32, #tpu.memory_space<hbm>>) dst(%arg9 : memref<80x64xf32, #tpu.memory_space<vmem>>)
      %dma_start3A_431 = arith.constant 0 : i32
      %dma_start3A_432 = arith.constant 0 : i32
      %dma_start3A_433 = tpu.memref_slice %arg8[%add3A_421, %dma_start3A_432] : memref<250x80xi32, #tpu.memory_space<vmem>> -> memref<1x80xi32, #tpu.memory_space<vmem>>
      %dma_start3A_434 = tpu.memref_squeeze %dma_start3A_433 : memref<1x80xi32, #tpu.memory_space<vmem>> -> memref<80xi32, #tpu.memory_space<vmem>>
      %dma_start3A_435 = arith.constant 0 : i32
      %dma_start3A_436 = arith.constant 0 : i32
      %dma_start3A_437 = tpu.memref_slice %arg14[%dma_start3A_435, %dma_start3A_436] : memref<10000x64xf32, #tpu.memory_space<vmem_shared>> -> memref<10000x64xf32, #tpu.memory_space<vmem_shared>>
      %dma_start3A_438 = tpu.memref_slice %arg16[%dma_start3A_431] : memref<5x!tpu.dma_semaphore, #tpu.memory_space<semaphore_mem>> -> memref<1x!tpu.dma_semaphore, #tpu.memory_space<semaphore_mem>>
      %dma_start3A_439 = tpu.memref_squeeze %dma_start3A_438 : memref<1x!tpu.dma_semaphore, #tpu.memory_space<semaphore_mem>> -> memref<!tpu.dma_semaphore, #tpu.memory_space<semaphore_mem>>
      tpu.enqueue_indirect_dma source(%arg9 : memref<80x64xf32, #tpu.memory_space<vmem>>) target(%dma_start3A_437 : memref<10000x64xf32, #tpu.memory_space<vmem_shared>>) offsets(%dma_start3A_434 : memref<80xi32, #tpu.memory_space<vmem>>) semaphore(%dma_start3A_439 : memref<!tpu.dma_semaphore, #tpu.memory_space<semaphore_mem>>) {add = true}
      %dma_wait3A_440 = arith.constant 0 : i32
      %dma_wait3A_441 = arith.constant 0 : i32
      %dma_wait3A_442 = tpu.memref_slice %arg8[%add3A_421, %dma_wait3A_441] : memref<250x80xi32, #tpu.memory_space<vmem>> -> memref<1x80xi32, #tpu.memory_space<vmem>>
      %dma_wait3A_443 = tpu.memref_squeeze %dma_wait3A_442 : memref<1x80xi32, #tpu.memory_space<vmem>> -> memref<80xi32, #tpu.memory_space<vmem>>
      %dma_wait3A_444 = arith.constant 0 : i32
      %dma_wait3A_445 = arith.constant 0 : i32
      %dma_wait3A_446 = tpu.memref_slice %arg14[%dma_wait3A_444, %dma_wait3A_445] : memref<10000x64xf32, #tpu.memory_space<vmem_shared>> -> memref<10000x64xf32, #tpu.memory_space<vmem_shared>>
      %dma_wait3A_447 = tpu.memref_slice %arg16[%dma_wait3A_440] : memref<5x!tpu.dma_semaphore, #tpu.memory_space<semaphore_mem>> -> memref<1x!tpu.dma_semaphore, #tpu.memory_space<semaphore_mem>>
      %dma_wait3A_448 = tpu.memref_squeeze %dma_wait3A_447 : memref<1x!tpu.dma_semaphore, #tpu.memory_space<semaphore_mem>> -> memref<!tpu.dma_semaphore, #tpu.memory_space<semaphore_mem>>
      tpu.wait_indirect_dma semaphore(%dma_wait3A_448 : memref<!tpu.dma_semaphore, #tpu.memory_space<semaphore_mem>>) src(%arg9 : memref<80x64xf32, #tpu.memory_space<vmem>>) dst(%dma_wait3A_446 : memref<10000x64xf32, #tpu.memory_space<vmem_shared>>)
      %add3A_449 = arith.constant 5 : i32
      %add3A_450 = arith.addi %add3A_421, %add3A_449 : i32
      %dma_start3A_451 = arith.constant 0 : i32
      %dma_start3A_452 = arith.constant 0 : i32
      %dma_start3A_453 = tpu.memref_slice %arg7[%add3A_450, %dma_start3A_452] : memref<250x80xi32, #tpu.memory_space<vmem>> -> memref<1x80xi32, #tpu.memory_space<vmem>>
      %dma_start3A_454 = tpu.memref_squeeze %dma_start3A_453 : memref<1x80xi32, #tpu.memory_space<vmem>> -> memref<80xi32, #tpu.memory_space<vmem>>
      %dma_start3A_455 = arith.constant 0 : i32
      %dma_start3A_456 = arith.constant 0 : i32
      %dma_start3A_457 = tpu.memref_slice %arg2[%dma_start3A_455, %dma_start3A_456] : memref<20000x64xf32, #tpu.memory_space<hbm>> -> memref<20000x64xf32, #tpu.memory_space<hbm>>
      %dma_start3A_458 = tpu.memref_slice %arg15[%dma_start3A_451] : memref<5x!tpu.dma_semaphore, #tpu.memory_space<semaphore_mem>> -> memref<1x!tpu.dma_semaphore, #tpu.memory_space<semaphore_mem>>
      %dma_start3A_459 = tpu.memref_squeeze %dma_start3A_458 : memref<1x!tpu.dma_semaphore, #tpu.memory_space<semaphore_mem>> -> memref<!tpu.dma_semaphore, #tpu.memory_space<semaphore_mem>>
      tpu.enqueue_indirect_dma source(%dma_start3A_457 : memref<20000x64xf32, #tpu.memory_space<hbm>>) target(%arg9 : memref<80x64xf32, #tpu.memory_space<vmem>>) offsets(%dma_start3A_454 : memref<80xi32, #tpu.memory_space<vmem>>) semaphore(%dma_start3A_459 : memref<!tpu.dma_semaphore, #tpu.memory_space<semaphore_mem>>)
      %add3A_460 = arith.constant 1 : i32
      %add3A_461 = arith.addi %mul3A_420, %add3A_460 : i32
      %dma_wait3A_462 = arith.constant 1 : i32
      %dma_wait3A_463 = arith.constant 0 : i32
      %dma_wait3A_464 = tpu.memref_slice %arg7[%add3A_461, %dma_wait3A_463] : memref<250x80xi32, #tpu.memory_space<vmem>> -> memref<1x80xi32, #tpu.memory_space<vmem>>
      %dma_wait3A_465 = tpu.memref_squeeze %dma_wait3A_464 : memref<1x80xi32, #tpu.memory_space<vmem>> -> memref<80xi32, #tpu.memory_space<vmem>>
      %dma_wait3A_466 = arith.constant 0 : i32
      %dma_wait3A_467 = arith.constant 0 : i32
      %dma_wait3A_468 = tpu.memref_slice %arg2[%dma_wait3A_466, %dma_wait3A_467] : memref<20000x64xf32, #tpu.memory_space<hbm>> -> memref<20000x64xf32, #tpu.memory_space<hbm>>
      %dma_wait3A_469 = tpu.memref_slice %arg15[%dma_wait3A_462] : memref<5x!tpu.dma_semaphore, #tpu.memory_space<semaphore_mem>> -> memref<1x!tpu.dma_semaphore, #tpu.memory_space<semaphore_mem>>
      %dma_wait3A_470 = tpu.memref_squeeze %dma_wait3A_469 : memref<1x!tpu.dma_semaphore, #tpu.memory_space<semaphore_mem>> -> memref<!tpu.dma_semaphore, #tpu.memory_space<semaphore_mem>>
      tpu.wait_indirect_dma semaphore(%dma_wait3A_470 : memref<!tpu.dma_semaphore, #tpu.memory_space<semaphore_mem>>) src(%dma_wait3A_468 : memref<20000x64xf32, #tpu.memory_space<hbm>>) dst(%arg10 : memref<80x64xf32, #tpu.memory_space<vmem>>)
      %dma_start3A_471 = arith.constant 1 : i32
      %dma_start3A_472 = arith.constant 0 : i32
      %dma_start3A_473 = tpu.memref_slice %arg8[%add3A_461, %dma_start3A_472] : memref<250x80xi32, #tpu.memory_space<vmem>> -> memref<1x80xi32, #tpu.memory_space<vmem>>
      %dma_start3A_474 = tpu.memref_squeeze %dma_start3A_473 : memref<1x80xi32, #tpu.memory_space<vmem>> -> memref<80xi32, #tpu.memory_space<vmem>>
      %dma_start3A_475 = arith.constant 0 : i32
      %dma_start3A_476 = arith.constant 0 : i32
      %dma_start3A_477 = tpu.memref_slice %arg14[%dma_start3A_475, %dma_start3A_476] : memref<10000x64xf32, #tpu.memory_space<vmem_shared>> -> memref<10000x64xf32, #tpu.memory_space<vmem_shared>>
      %dma_start3A_478 = tpu.memref_slice %arg16[%dma_start3A_471] : memref<5x!tpu.dma_semaphore, #tpu.memory_space<semaphore_mem>> -> memref<1x!tpu.dma_semaphore, #tpu.memory_space<semaphore_mem>>
      %dma_start3A_479 = tpu.memref_squeeze %dma_start3A_478 : memref<1x!tpu.dma_semaphore, #tpu.memory_space<semaphore_mem>> -> memref<!tpu.dma_semaphore, #tpu.memory_space<semaphore_mem>>
      tpu.enqueue_indirect_dma source(%arg10 : memref<80x64xf32, #tpu.memory_space<vmem>>) target(%dma_start3A_477 : memref<10000x64xf32, #tpu.memory_space<vmem_shared>>) offsets(%dma_start3A_474 : memref<80xi32, #tpu.memory_space<vmem>>) semaphore(%dma_start3A_479 : memref<!tpu.dma_semaphore, #tpu.memory_space<semaphore_mem>>) {add = true}
      %dma_wait3A_480 = arith.constant 1 : i32
      %dma_wait3A_481 = arith.constant 0 : i32
      %dma_wait3A_482 = tpu.memref_slice %arg8[%add3A_461, %dma_wait3A_481] : memref<250x80xi32, #tpu.memory_space<vmem>> -> memref<1x80xi32, #tpu.memory_space<vmem>>
      %dma_wait3A_483 = tpu.memref_squeeze %dma_wait3A_482 : memref<1x80xi32, #tpu.memory_space<vmem>> -> memref<80xi32, #tpu.memory_space<vmem>>
      %dma_wait3A_484 = arith.constant 0 : i32
      %dma_wait3A_485 = arith.constant 0 : i32
      %dma_wait3A_486 = tpu.memref_slice %arg14[%dma_wait3A_484, %dma_wait3A_485] : memref<10000x64xf32, #tpu.memory_space<vmem_shared>> -> memref<10000x64xf32, #tpu.memory_space<vmem_shared>>
      %dma_wait3A_487 = tpu.memref_slice %arg16[%dma_wait3A_480] : memref<5x!tpu.dma_semaphore, #tpu.memory_space<semaphore_mem>> -> memref<1x!tpu.dma_semaphore, #tpu.memory_space<semaphore_mem>>
      %dma_wait3A_488 = tpu.memref_squeeze %dma_wait3A_487 : memref<1x!tpu.dma_semaphore, #tpu.memory_space<semaphore_mem>> -> memref<!tpu.dma_semaphore, #tpu.memory_space<semaphore_mem>>
      tpu.wait_indirect_dma semaphore(%dma_wait3A_488 : memref<!tpu.dma_semaphore, #tpu.memory_space<semaphore_mem>>) src(%arg10 : memref<80x64xf32, #tpu.memory_space<vmem>>) dst(%dma_wait3A_486 : memref<10000x64xf32, #tpu.memory_space<vmem_shared>>)
      %add3A_489 = arith.constant 5 : i32
      %add3A_490 = arith.addi %add3A_461, %add3A_489 : i32
      %dma_start3A_491 = arith.constant 1 : i32
      %dma_start3A_492 = arith.constant 0 : i32
      %dma_start3A_493 = tpu.memref_slice %arg7[%add3A_490, %dma_start3A_492] : memref<250x80xi32, #tpu.memory_space<vmem>> -> memref<1x80xi32, #tpu.memory_space<vmem>>
      %dma_start3A_494 = tpu.memref_squeeze %dma_start3A_493 : memref<1x80xi32, #tpu.memory_space<vmem>> -> memref<80xi32, #tpu.memory_space<vmem>>
      %dma_start3A_495 = arith.constant 0 : i32
      %dma_start3A_496 = arith.constant 0 : i32
      %dma_start3A_497 = tpu.memref_slice %arg2[%dma_start3A_495, %dma_start3A_496] : memref<20000x64xf32, #tpu.memory_space<hbm>> -> memref<20000x64xf32, #tpu.memory_space<hbm>>
      %dma_start3A_498 = tpu.memref_slice %arg15[%dma_start3A_491] : memref<5x!tpu.dma_semaphore, #tpu.memory_space<semaphore_mem>> -> memref<1x!tpu.dma_semaphore, #tpu.memory_space<semaphore_mem>>
      %dma_start3A_499 = tpu.memref_squeeze %dma_start3A_498 : memref<1x!tpu.dma_semaphore, #tpu.memory_space<semaphore_mem>> -> memref<!tpu.dma_semaphore, #tpu.memory_space<semaphore_mem>>
      tpu.enqueue_indirect_dma source(%dma_start3A_497 : memref<20000x64xf32, #tpu.memory_space<hbm>>) target(%arg10 : memref<80x64xf32, #tpu.memory_space<vmem>>) offsets(%dma_start3A_494 : memref<80xi32, #tpu.memory_space<vmem>>) semaphore(%dma_start3A_499 : memref<!tpu.dma_semaphore, #tpu.memory_space<semaphore_mem>>)
      %add3A_500 = arith.constant 2 : i32
      %add3A_501 = arith.addi %mul3A_420, %add3A_500 : i32
      %dma_wait3A_502 = arith.constant 2 : i32
      %dma_wait3A_503 = arith.constant 0 : i32
      %dma_wait3A_504 = tpu.memref_slice %arg7[%add3A_501, %dma_wait3A_503] : memref<250x80xi32, #tpu.memory_space<vmem>> -> memref<1x80xi32, #tpu.memory_space<vmem>>
      %dma_wait3A_505 = tpu.memref_squeeze %dma_wait3A_504 : memref<1x80xi32, #tpu.memory_space<vmem>> -> memref<80xi32, #tpu.memory_space<vmem>>
      %dma_wait3A_506 = arith.constant 0 : i32
      %dma_wait3A_507 = arith.constant 0 : i32
      %dma_wait3A_508 = tpu.memref_slice %arg2[%dma_wait3A_506, %dma_wait3A_507] : memref<20000x64xf32, #tpu.memory_space<hbm>> -> memref<20000x64xf32, #tpu.memory_space<hbm>>
      %dma_wait3A_509 = tpu.memref_slice %arg15[%dma_wait3A_502] : memref<5x!tpu.dma_semaphore, #tpu.memory_space<semaphore_mem>> -> memref<1x!tpu.dma_semaphore, #tpu.memory_space<semaphore_mem>>
      %dma_wait3A_510 = tpu.memref_squeeze %dma_wait3A_509 : memref<1x!tpu.dma_semaphore, #tpu.memory_space<semaphore_mem>> -> memref<!tpu.dma_semaphore, #tpu.memory_space<semaphore_mem>>
      tpu.wait_indirect_dma semaphore(%dma_wait3A_510 : memref<!tpu.dma_semaphore, #tpu.memory_space<semaphore_mem>>) src(%dma_wait3A_508 : memref<20000x64xf32, #tpu.memory_space<hbm>>) dst(%arg11 : memref<80x64xf32, #tpu.memory_space<vmem>>)
      %dma_start3A_511 = arith.constant 2 : i32
      %dma_start3A_512 = arith.constant 0 : i32
      %dma_start3A_513 = tpu.memref_slice %arg8[%add3A_501, %dma_start3A_512] : memref<250x80xi32, #tpu.memory_space<vmem>> -> memref<1x80xi32, #tpu.memory_space<vmem>>
      %dma_start3A_514 = tpu.memref_squeeze %dma_start3A_513 : memref<1x80xi32, #tpu.memory_space<vmem>> -> memref<80xi32, #tpu.memory_space<vmem>>
      %dma_start3A_515 = arith.constant 0 : i32
      %dma_start3A_516 = arith.constant 0 : i32
      %dma_start3A_517 = tpu.memref_slice %arg14[%dma_start3A_515, %dma_start3A_516] : memref<10000x64xf32, #tpu.memory_space<vmem_shared>> -> memref<10000x64xf32, #tpu.memory_space<vmem_shared>>
      %dma_start3A_518 = tpu.memref_slice %arg16[%dma_start3A_511] : memref<5x!tpu.dma_semaphore, #tpu.memory_space<semaphore_mem>> -> memref<1x!tpu.dma_semaphore, #tpu.memory_space<semaphore_mem>>
      %dma_start3A_519 = tpu.memref_squeeze %dma_start3A_518 : memref<1x!tpu.dma_semaphore, #tpu.memory_space<semaphore_mem>> -> memref<!tpu.dma_semaphore, #tpu.memory_space<semaphore_mem>>
      tpu.enqueue_indirect_dma source(%arg11 : memref<80x64xf32, #tpu.memory_space<vmem>>) target(%dma_start3A_517 : memref<10000x64xf32, #tpu.memory_space<vmem_shared>>) offsets(%dma_start3A_514 : memref<80xi32, #tpu.memory_space<vmem>>) semaphore(%dma_start3A_519 : memref<!tpu.dma_semaphore, #tpu.memory_space<semaphore_mem>>) {add = true}
      %dma_wait3A_520 = arith.constant 2 : i32
      %dma_wait3A_521 = arith.constant 0 : i32
      %dma_wait3A_522 = tpu.memref_slice %arg8[%add3A_501, %dma_wait3A_521] : memref<250x80xi32, #tpu.memory_space<vmem>> -> memref<1x80xi32, #tpu.memory_space<vmem>>
      %dma_wait3A_523 = tpu.memref_squeeze %dma_wait3A_522 : memref<1x80xi32, #tpu.memory_space<vmem>> -> memref<80xi32, #tpu.memory_space<vmem>>
      %dma_wait3A_524 = arith.constant 0 : i32
      %dma_wait3A_525 = arith.constant 0 : i32
      %dma_wait3A_526 = tpu.memref_slice %arg14[%dma_wait3A_524, %dma_wait3A_525] : memref<10000x64xf32, #tpu.memory_space<vmem_shared>> -> memref<10000x64xf32, #tpu.memory_space<vmem_shared>>
      %dma_wait3A_527 = tpu.memref_slice %arg16[%dma_wait3A_520] : memref<5x!tpu.dma_semaphore, #tpu.memory_space<semaphore_mem>> -> memref<1x!tpu.dma_semaphore, #tpu.memory_space<semaphore_mem>>
      %dma_wait3A_528 = tpu.memref_squeeze %dma_wait3A_527 : memref<1x!tpu.dma_semaphore, #tpu.memory_space<semaphore_mem>> -> memref<!tpu.dma_semaphore, #tpu.memory_space<semaphore_mem>>
      tpu.wait_indirect_dma semaphore(%dma_wait3A_528 : memref<!tpu.dma_semaphore, #tpu.memory_space<semaphore_mem>>) src(%arg11 : memref<80x64xf32, #tpu.memory_space<vmem>>) dst(%dma_wait3A_526 : memref<10000x64xf32, #tpu.memory_space<vmem_shared>>)
      %add3A_529 = arith.constant 5 : i32
      %add3A_530 = arith.addi %add3A_501, %add3A_529 : i32
      %dma_start3A_531 = arith.constant 2 : i32
      %dma_start3A_532 = arith.constant 0 : i32
      %dma_start3A_533 = tpu.memref_slice %arg7[%add3A_530, %dma_start3A_532] : memref<250x80xi32, #tpu.memory_space<vmem>> -> memref<1x80xi32, #tpu.memory_space<vmem>>
      %dma_start3A_534 = tpu.memref_squeeze %dma_start3A_533 : memref<1x80xi32, #tpu.memory_space<vmem>> -> memref<80xi32, #tpu.memory_space<vmem>>
      %dma_start3A_535 = arith.constant 0 : i32
      %dma_start3A_536 = arith.constant 0 : i32
      %dma_start3A_537 = tpu.memref_slice %arg2[%dma_start3A_535, %dma_start3A_536] : memref<20000x64xf32, #tpu.memory_space<hbm>> -> memref<20000x64xf32, #tpu.memory_space<hbm>>
      %dma_start3A_538 = tpu.memref_slice %arg15[%dma_start3A_531] : memref<5x!tpu.dma_semaphore, #tpu.memory_space<semaphore_mem>> -> memref<1x!tpu.dma_semaphore, #tpu.memory_space<semaphore_mem>>
      %dma_start3A_539 = tpu.memref_squeeze %dma_start3A_538 : memref<1x!tpu.dma_semaphore, #tpu.memory_space<semaphore_mem>> -> memref<!tpu.dma_semaphore, #tpu.memory_space<semaphore_mem>>
      tpu.enqueue_indirect_dma source(%dma_start3A_537 : memref<20000x64xf32, #tpu.memory_space<hbm>>) target(%arg11 : memref<80x64xf32, #tpu.memory_space<vmem>>) offsets(%dma_start3A_534 : memref<80xi32, #tpu.memory_space<vmem>>) semaphore(%dma_start3A_539 : memref<!tpu.dma_semaphore, #tpu.memory_space<semaphore_mem>>)
      %add3A_540 = arith.constant 3 : i32
      %add3A_541 = arith.addi %mul3A_420, %add3A_540 : i32
      %dma_wait3A_542 = arith.constant 3 : i32
      %dma_wait3A_543 = arith.constant 0 : i32
      %dma_wait3A_544 = tpu.memref_slice %arg7[%add3A_541, %dma_wait3A_543] : memref<250x80xi32, #tpu.memory_space<vmem>> -> memref<1x80xi32, #tpu.memory_space<vmem>>
      %dma_wait3A_545 = tpu.memref_squeeze %dma_wait3A_544 : memref<1x80xi32, #tpu.memory_space<vmem>> -> memref<80xi32, #tpu.memory_space<vmem>>
      %dma_wait3A_546 = arith.constant 0 : i32
      %dma_wait3A_547 = arith.constant 0 : i32
      %dma_wait3A_548 = tpu.memref_slice %arg2[%dma_wait3A_546, %dma_wait3A_547] : memref<20000x64xf32, #tpu.memory_space<hbm>> -> memref<20000x64xf32, #tpu.memory_space<hbm>>
      %dma_wait3A_549 = tpu.memref_slice %arg15[%dma_wait3A_542] : memref<5x!tpu.dma_semaphore, #tpu.memory_space<semaphore_mem>> -> memref<1x!tpu.dma_semaphore, #tpu.memory_space<semaphore_mem>>
      %dma_wait3A_550 = tpu.memref_squeeze %dma_wait3A_549 : memref<1x!tpu.dma_semaphore, #tpu.memory_space<semaphore_mem>> -> memref<!tpu.dma_semaphore, #tpu.memory_space<semaphore_mem>>
      tpu.wait_indirect_dma semaphore(%dma_wait3A_550 : memref<!tpu.dma_semaphore, #tpu.memory_space<semaphore_mem>>) src(%dma_wait3A_548 : memref<20000x64xf32, #tpu.memory_space<hbm>>) dst(%arg12 : memref<80x64xf32, #tpu.memory_space<vmem>>)
      %dma_start3A_551 = arith.constant 3 : i32
      %dma_start3A_552 = arith.constant 0 : i32
      %dma_start3A_553 = tpu.memref_slice %arg8[%add3A_541, %dma_start3A_552] : memref<250x80xi32, #tpu.memory_space<vmem>> -> memref<1x80xi32, #tpu.memory_space<vmem>>
      %dma_start3A_554 = tpu.memref_squeeze %dma_start3A_553 : memref<1x80xi32, #tpu.memory_space<vmem>> -> memref<80xi32, #tpu.memory_space<vmem>>
      %dma_start3A_555 = arith.constant 0 : i32
      %dma_start3A_556 = arith.constant 0 : i32
      %dma_start3A_557 = tpu.memref_slice %arg14[%dma_start3A_555, %dma_start3A_556] : memref<10000x64xf32, #tpu.memory_space<vmem_shared>> -> memref<10000x64xf32, #tpu.memory_space<vmem_shared>>
      %dma_start3A_558 = tpu.memref_slice %arg16[%dma_start3A_551] : memref<5x!tpu.dma_semaphore, #tpu.memory_space<semaphore_mem>> -> memref<1x!tpu.dma_semaphore, #tpu.memory_space<semaphore_mem>>
      %dma_start3A_559 = tpu.memref_squeeze %dma_start3A_558 : memref<1x!tpu.dma_semaphore, #tpu.memory_space<semaphore_mem>> -> memref<!tpu.dma_semaphore, #tpu.memory_space<semaphore_mem>>
      tpu.enqueue_indirect_dma source(%arg12 : memref<80x64xf32, #tpu.memory_space<vmem>>) target(%dma_start3A_557 : memref<10000x64xf32, #tpu.memory_space<vmem_shared>>) offsets(%dma_start3A_554 : memref<80xi32, #tpu.memory_space<vmem>>) semaphore(%dma_start3A_559 : memref<!tpu.dma_semaphore, #tpu.memory_space<semaphore_mem>>) {add = true}
      %dma_wait3A_560 = arith.constant 3 : i32
      %dma_wait3A_561 = arith.constant 0 : i32
      %dma_wait3A_562 = tpu.memref_slice %arg8[%add3A_541, %dma_wait3A_561] : memref<250x80xi32, #tpu.memory_space<vmem>> -> memref<1x80xi32, #tpu.memory_space<vmem>>
      %dma_wait3A_563 = tpu.memref_squeeze %dma_wait3A_562 : memref<1x80xi32, #tpu.memory_space<vmem>> -> memref<80xi32, #tpu.memory_space<vmem>>
      %dma_wait3A_564 = arith.constant 0 : i32
      %dma_wait3A_565 = arith.constant 0 : i32
      %dma_wait3A_566 = tpu.memref_slice %arg14[%dma_wait3A_564, %dma_wait3A_565] : memref<10000x64xf32, #tpu.memory_space<vmem_shared>> -> memref<10000x64xf32, #tpu.memory_space<vmem_shared>>
      %dma_wait3A_567 = tpu.memref_slice %arg16[%dma_wait3A_560] : memref<5x!tpu.dma_semaphore, #tpu.memory_space<semaphore_mem>> -> memref<1x!tpu.dma_semaphore, #tpu.memory_space<semaphore_mem>>
      %dma_wait3A_568 = tpu.memref_squeeze %dma_wait3A_567 : memref<1x!tpu.dma_semaphore, #tpu.memory_space<semaphore_mem>> -> memref<!tpu.dma_semaphore, #tpu.memory_space<semaphore_mem>>
      tpu.wait_indirect_dma semaphore(%dma_wait3A_568 : memref<!tpu.dma_semaphore, #tpu.memory_space<semaphore_mem>>) src(%arg12 : memref<80x64xf32, #tpu.memory_space<vmem>>) dst(%dma_wait3A_566 : memref<10000x64xf32, #tpu.memory_space<vmem_shared>>)
      %add3A_569 = arith.constant 5 : i32
      %add3A_570 = arith.addi %add3A_541, %add3A_569 : i32
      %dma_start3A_571 = arith.constant 3 : i32
      %dma_start3A_572 = arith.constant 0 : i32
      %dma_start3A_573 = tpu.memref_slice %arg7[%add3A_570, %dma_start3A_572] : memref<250x80xi32, #tpu.memory_space<vmem>> -> memref<1x80xi32, #tpu.memory_space<vmem>>
      %dma_start3A_574 = tpu.memref_squeeze %dma_start3A_573 : memref<1x80xi32, #tpu.memory_space<vmem>> -> memref<80xi32, #tpu.memory_space<vmem>>
      %dma_start3A_575 = arith.constant 0 : i32
      %dma_start3A_576 = arith.constant 0 : i32
      %dma_start3A_577 = tpu.memref_slice %arg2[%dma_start3A_575, %dma_start3A_576] : memref<20000x64xf32, #tpu.memory_space<hbm>> -> memref<20000x64xf32, #tpu.memory_space<hbm>>
      %dma_start3A_578 = tpu.memref_slice %arg15[%dma_start3A_571] : memref<5x!tpu.dma_semaphore, #tpu.memory_space<semaphore_mem>> -> memref<1x!tpu.dma_semaphore, #tpu.memory_space<semaphore_mem>>
      %dma_start3A_579 = tpu.memref_squeeze %dma_start3A_578 : memref<1x!tpu.dma_semaphore, #tpu.memory_space<semaphore_mem>> -> memref<!tpu.dma_semaphore, #tpu.memory_space<semaphore_mem>>
      tpu.enqueue_indirect_dma source(%dma_start3A_577 : memref<20000x64xf32, #tpu.memory_space<hbm>>) target(%arg12 : memref<80x64xf32, #tpu.memory_space<vmem>>) offsets(%dma_start3A_574 : memref<80xi32, #tpu.memory_space<vmem>>) semaphore(%dma_start3A_579 : memref<!tpu.dma_semaphore, #tpu.memory_space<semaphore_mem>>)
      %add3A_580 = arith.constant 4 : i32
      %add3A_581 = arith.addi %mul3A_420, %add3A_580 : i32
      %dma_wait3A_582 = arith.constant 4 : i32
      %dma_wait3A_583 = arith.constant 0 : i32
      %dma_wait3A_584 = tpu.memref_slice %arg7[%add3A_581, %dma_wait3A_583] : memref<250x80xi32, #tpu.memory_space<vmem>> -> memref<1x80xi32, #tpu.memory_space<vmem>>
      %dma_wait3A_585 = tpu.memref_squeeze %dma_wait3A_584 : memref<1x80xi32, #tpu.memory_space<vmem>> -> memref<80xi32, #tpu.memory_space<vmem>>
      %dma_wait3A_586 = arith.constant 0 : i32
      %dma_wait3A_587 = arith.constant 0 : i32
      %dma_wait3A_588 = tpu.memref_slice %arg2[%dma_wait3A_586, %dma_wait3A_587] : memref<20000x64xf32, #tpu.memory_space<hbm>> -> memref<20000x64xf32, #tpu.memory_space<hbm>>
      %dma_wait3A_589 = tpu.memref_slice %arg15[%dma_wait3A_582] : memref<5x!tpu.dma_semaphore, #tpu.memory_space<semaphore_mem>> -> memref<1x!tpu.dma_semaphore, #tpu.memory_space<semaphore_mem>>
      %dma_wait3A_590 = tpu.memref_squeeze %dma_wait3A_589 : memref<1x!tpu.dma_semaphore, #tpu.memory_space<semaphore_mem>> -> memref<!tpu.dma_semaphore, #tpu.memory_space<semaphore_mem>>
      tpu.wait_indirect_dma semaphore(%dma_wait3A_590 : memref<!tpu.dma_semaphore, #tpu.memory_space<semaphore_mem>>) src(%dma_wait3A_588 : memref<20000x64xf32, #tpu.memory_space<hbm>>) dst(%arg13 : memref<80x64xf32, #tpu.memory_space<vmem>>)
      %dma_start3A_591 = arith.constant 4 : i32
      %dma_start3A_592 = arith.constant 0 : i32
      %dma_start3A_593 = tpu.memref_slice %arg8[%add3A_581, %dma_start3A_592] : memref<250x80xi32, #tpu.memory_space<vmem>> -> memref<1x80xi32, #tpu.memory_space<vmem>>
      %dma_start3A_594 = tpu.memref_squeeze %dma_start3A_593 : memref<1x80xi32, #tpu.memory_space<vmem>> -> memref<80xi32, #tpu.memory_space<vmem>>
      %dma_start3A_595 = arith.constant 0 : i32
      %dma_start3A_596 = arith.constant 0 : i32
      %dma_start3A_597 = tpu.memref_slice %arg14[%dma_start3A_595, %dma_start3A_596] : memref<10000x64xf32, #tpu.memory_space<vmem_shared>> -> memref<10000x64xf32, #tpu.memory_space<vmem_shared>>
      %dma_start3A_598 = tpu.memref_slice %arg16[%dma_start3A_591] : memref<5x!tpu.dma_semaphore, #tpu.memory_space<semaphore_mem>> -> memref<1x!tpu.dma_semaphore, #tpu.memory_space<semaphore_mem>>
      %dma_start3A_599 = tpu.memref_squeeze %dma_start3A_598 : memref<1x!tpu.dma_semaphore, #tpu.memory_space<semaphore_mem>> -> memref<!tpu.dma_semaphore, #tpu.memory_space<semaphore_mem>>
      tpu.enqueue_indirect_dma source(%arg13 : memref<80x64xf32, #tpu.memory_space<vmem>>) target(%dma_start3A_597 : memref<10000x64xf32, #tpu.memory_space<vmem_shared>>) offsets(%dma_start3A_594 : memref<80xi32, #tpu.memory_space<vmem>>) semaphore(%dma_start3A_599 : memref<!tpu.dma_semaphore, #tpu.memory_space<semaphore_mem>>) {add = true}
      %dma_wait3A_600 = arith.constant 4 : i32
      %dma_wait3A_601 = arith.constant 0 : i32
      %dma_wait3A_602 = tpu.memref_slice %arg8[%add3A_581, %dma_wait3A_601] : memref<250x80xi32, #tpu.memory_space<vmem>> -> memref<1x80xi32, #tpu.memory_space<vmem>>
      %dma_wait3A_603 = tpu.memref_squeeze %dma_wait3A_602 : memref<1x80xi32, #tpu.memory_space<vmem>> -> memref<80xi32, #tpu.memory_space<vmem>>
      %dma_wait3A_604 = arith.constant 0 : i32
      %dma_wait3A_605 = arith.constant 0 : i32
      %dma_wait3A_606 = tpu.memref_slice %arg14[%dma_wait3A_604, %dma_wait3A_605] : memref<10000x64xf32, #tpu.memory_space<vmem_shared>> -> memref<10000x64xf32, #tpu.memory_space<vmem_shared>>
      %dma_wait3A_607 = tpu.memref_slice %arg16[%dma_wait3A_600] : memref<5x!tpu.dma_semaphore, #tpu.memory_space<semaphore_mem>> -> memref<1x!tpu.dma_semaphore, #tpu.memory_space<semaphore_mem>>
      %dma_wait3A_608 = tpu.memref_squeeze %dma_wait3A_607 : memref<1x!tpu.dma_semaphore, #tpu.memory_space<semaphore_mem>> -> memref<!tpu.dma_semaphore, #tpu.memory_space<semaphore_mem>>
      tpu.wait_indirect_dma semaphore(%dma_wait3A_608 : memref<!tpu.dma_semaphore, #tpu.memory_space<semaphore_mem>>) src(%arg13 : memref<80x64xf32, #tpu.memory_space<vmem>>) dst(%dma_wait3A_606 : memref<10000x64xf32, #tpu.memory_space<vmem_shared>>)
      %add3A_609 = arith.constant 5 : i32
      %add3A_610 = arith.addi %add3A_581, %add3A_609 : i32
      %dma_start3A_611 = arith.constant 4 : i32
      %dma_start3A_612 = arith.constant 0 : i32
      %dma_start3A_613 = tpu.memref_slice %arg7[%add3A_610, %dma_start3A_612] : memref<250x80xi32, #tpu.memory_space<vmem>> -> memref<1x80xi32, #tpu.memory_space<vmem>>
      %dma_start3A_614 = tpu.memref_squeeze %dma_start3A_613 : memref<1x80xi32, #tpu.memory_space<vmem>> -> memref<80xi32, #tpu.memory_space<vmem>>
      %dma_start3A_615 = arith.constant 0 : i32
      %dma_start3A_616 = arith.constant 0 : i32
      %dma_start3A_617 = tpu.memref_slice %arg2[%dma_start3A_615, %dma_start3A_616] : memref<20000x64xf32, #tpu.memory_space<hbm>> -> memref<20000x64xf32, #tpu.memory_space<hbm>>
      %dma_start3A_618 = tpu.memref_slice %arg15[%dma_start3A_611] : memref<5x!tpu.dma_semaphore, #tpu.memory_space<semaphore_mem>> -> memref<1x!tpu.dma_semaphore, #tpu.memory_space<semaphore_mem>>
      %dma_start3A_619 = tpu.memref_squeeze %dma_start3A_618 : memref<1x!tpu.dma_semaphore, #tpu.memory_space<semaphore_mem>> -> memref<!tpu.dma_semaphore, #tpu.memory_space<semaphore_mem>>
      tpu.enqueue_indirect_dma source(%dma_start3A_617 : memref<20000x64xf32, #tpu.memory_space<hbm>>) target(%arg13 : memref<80x64xf32, #tpu.memory_space<vmem>>) offsets(%dma_start3A_614 : memref<80xi32, #tpu.memory_space<vmem>>) semaphore(%dma_start3A_619 : memref<!tpu.dma_semaphore, #tpu.memory_space<semaphore_mem>>)
    }
    %scan3A_257 = arith.constant 48 : i32
    %dma_wait3A_258 = arith.constant 245 : i32
    %dma_wait3A_259 = arith.constant 0 : i32
    %dma_wait3A_260 = arith.constant 0 : i32
    %dma_wait3A_261 = tpu.memref_slice %arg7[%dma_wait3A_258, %dma_wait3A_260] : memref<250x80xi32, #tpu.memory_space<vmem>> -> memref<1x80xi32, #tpu.memory_space<vmem>>
    %dma_wait3A_262 = tpu.memref_squeeze %dma_wait3A_261 : memref<1x80xi32, #tpu.memory_space<vmem>> -> memref<80xi32, #tpu.memory_space<vmem>>
    %dma_wait3A_263 = arith.constant 0 : i32
    %dma_wait3A_264 = arith.constant 0 : i32
    %dma_wait3A_265 = tpu.memref_slice %arg2[%dma_wait3A_263, %dma_wait3A_264] : memref<20000x64xf32, #tpu.memory_space<hbm>> -> memref<20000x64xf32, #tpu.memory_space<hbm>>
    %dma_wait3A_266 = tpu.memref_slice %arg15[%dma_wait3A_259] : memref<5x!tpu.dma_semaphore, #tpu.memory_space<semaphore_mem>> -> memref<1x!tpu.dma_semaphore, #tpu.memory_space<semaphore_mem>>
    %dma_wait3A_267 = tpu.memref_squeeze %dma_wait3A_266 : memref<1x!tpu.dma_semaphore, #tpu.memory_space<semaphore_mem>> -> memref<!tpu.dma_semaphore, #tpu.memory_space<semaphore_mem>>
    tpu.wait_indirect_dma semaphore(%dma_wait3A_267 : memref<!tpu.dma_semaphore, #tpu.memory_space<semaphore_mem>>) src(%dma_wait3A_265 : memref<20000x64xf32, #tpu.memory_space<hbm>>) dst(%arg9 : memref<80x64xf32, #tpu.memory_space<vmem>>)
    %dma_start3A_268 = arith.constant 245 : i32
    %dma_start3A_269 = arith.constant 0 : i32
    %dma_start3A_270 = arith.constant 0 : i32
    %dma_start3A_271 = tpu.memref_slice %arg8[%dma_start3A_268, %dma_start3A_270] : memref<250x80xi32, #tpu.memory_space<vmem>> -> memref<1x80xi32, #tpu.memory_space<vmem>>
    %dma_start3A_272 = tpu.memref_squeeze %dma_start3A_271 : memref<1x80xi32, #tpu.memory_space<vmem>> -> memref<80xi32, #tpu.memory_space<vmem>>
    %dma_start3A_273 = arith.constant 0 : i32
    %dma_start3A_274 = arith.constant 0 : i32
    %dma_start3A_275 = tpu.memref_slice %arg14[%dma_start3A_273, %dma_start3A_274] : memref<10000x64xf32, #tpu.memory_space<vmem_shared>> -> memref<10000x64xf32, #tpu.memory_space<vmem_shared>>
    %dma_start3A_276 = tpu.memref_slice %arg16[%dma_start3A_269] : memref<5x!tpu.dma_semaphore, #tpu.memory_space<semaphore_mem>> -> memref<1x!tpu.dma_semaphore, #tpu.memory_space<semaphore_mem>>
    %dma_start3A_277 = tpu.memref_squeeze %dma_start3A_276 : memref<1x!tpu.dma_semaphore, #tpu.memory_space<semaphore_mem>> -> memref<!tpu.dma_semaphore, #tpu.memory_space<semaphore_mem>>
    tpu.enqueue_indirect_dma source(%arg9 : memref<80x64xf32, #tpu.memory_space<vmem>>) target(%dma_start3A_275 : memref<10000x64xf32, #tpu.memory_space<vmem_shared>>) offsets(%dma_start3A_272 : memref<80xi32, #tpu.memory_space<vmem>>) semaphore(%dma_start3A_277 : memref<!tpu.dma_semaphore, #tpu.memory_space<semaphore_mem>>) {add = true}
    %dma_wait3A_278 = arith.constant 245 : i32
    %dma_wait3A_279 = arith.constant 0 : i32
    %dma_wait3A_280 = arith.constant 0 : i32
    %dma_wait3A_281 = tpu.memref_slice %arg8[%dma_wait3A_278, %dma_wait3A_280] : memref<250x80xi32, #tpu.memory_space<vmem>> -> memref<1x80xi32, #tpu.memory_space<vmem>>
    %dma_wait3A_282 = tpu.memref_squeeze %dma_wait3A_281 : memref<1x80xi32, #tpu.memory_space<vmem>> -> memref<80xi32, #tpu.memory_space<vmem>>
    %dma_wait3A_283 = arith.constant 0 : i32
    %dma_wait3A_284 = arith.constant 0 : i32
    %dma_wait3A_285 = tpu.memref_slice %arg14[%dma_wait3A_283, %dma_wait3A_284] : memref<10000x64xf32, #tpu.memory_space<vmem_shared>> -> memref<10000x64xf32, #tpu.memory_space<vmem_shared>>
    %dma_wait3A_286 = tpu.memref_slice %arg16[%dma_wait3A_279] : memref<5x!tpu.dma_semaphore, #tpu.memory_space<semaphore_mem>> -> memref<1x!tpu.dma_semaphore, #tpu.memory_space<semaphore_mem>>
    %dma_wait3A_287 = tpu.memref_squeeze %dma_wait3A_286 : memref<1x!tpu.dma_semaphore, #tpu.memory_space<semaphore_mem>> -> memref<!tpu.dma_semaphore, #tpu.memory_space<semaphore_mem>>
    tpu.wait_indirect_dma semaphore(%dma_wait3A_287 : memref<!tpu.dma_semaphore, #tpu.memory_space<semaphore_mem>>) src(%arg9 : memref<80x64xf32, #tpu.memory_space<vmem>>) dst(%dma_wait3A_285 : memref<10000x64xf32, #tpu.memory_space<vmem_shared>>)
    %dma_wait3A_288 = arith.constant 246 : i32
    %dma_wait3A_289 = arith.constant 1 : i32
    %dma_wait3A_290 = arith.constant 0 : i32
    %dma_wait3A_291 = tpu.memref_slice %arg7[%dma_wait3A_288, %dma_wait3A_290] : memref<250x80xi32, #tpu.memory_space<vmem>> -> memref<1x80xi32, #tpu.memory_space<vmem>>
    %dma_wait3A_292 = tpu.memref_squeeze %dma_wait3A_291 : memref<1x80xi32, #tpu.memory_space<vmem>> -> memref<80xi32, #tpu.memory_space<vmem>>
    %dma_wait3A_293 = arith.constant 0 : i32
    %dma_wait3A_294 = arith.constant 0 : i32
    %dma_wait3A_295 = tpu.memref_slice %arg2[%dma_wait3A_293, %dma_wait3A_294] : memref<20000x64xf32, #tpu.memory_space<hbm>> -> memref<20000x64xf32, #tpu.memory_space<hbm>>
    %dma_wait3A_296 = tpu.memref_slice %arg15[%dma_wait3A_289] : memref<5x!tpu.dma_semaphore, #tpu.memory_space<semaphore_mem>> -> memref<1x!tpu.dma_semaphore, #tpu.memory_space<semaphore_mem>>
    %dma_wait3A_297 = tpu.memref_squeeze %dma_wait3A_296 : memref<1x!tpu.dma_semaphore, #tpu.memory_space<semaphore_mem>> -> memref<!tpu.dma_semaphore, #tpu.memory_space<semaphore_mem>>
    tpu.wait_indirect_dma semaphore(%dma_wait3A_297 : memref<!tpu.dma_semaphore, #tpu.memory_space<semaphore_mem>>) src(%dma_wait3A_295 : memref<20000x64xf32, #tpu.memory_space<hbm>>) dst(%arg10 : memref<80x64xf32, #tpu.memory_space<vmem>>)
    %dma_start3A_298 = arith.constant 246 : i32
    %dma_start3A_299 = arith.constant 1 : i32
    %dma_start3A_300 = arith.constant 0 : i32
    %dma_start3A_301 = tpu.memref_slice %arg8[%dma_start3A_298, %dma_start3A_300] : memref<250x80xi32, #tpu.memory_space<vmem>> -> memref<1x80xi32, #tpu.memory_space<vmem>>
    %dma_start3A_302 = tpu.memref_squeeze %dma_start3A_301 : memref<1x80xi32, #tpu.memory_space<vmem>> -> memref<80xi32, #tpu.memory_space<vmem>>
    %dma_start3A_303 = arith.constant 0 : i32
    %dma_start3A_304 = arith.constant 0 : i32
    %dma_start3A_305 = tpu.memref_slice %arg14[%dma_start3A_303, %dma_start3A_304] : memref<10000x64xf32, #tpu.memory_space<vmem_shared>> -> memref<10000x64xf32, #tpu.memory_space<vmem_shared>>
    %dma_start3A_306 = tpu.memref_slice %arg16[%dma_start3A_299] : memref<5x!tpu.dma_semaphore, #tpu.memory_space<semaphore_mem>> -> memref<1x!tpu.dma_semaphore, #tpu.memory_space<semaphore_mem>>
    %dma_start3A_307 = tpu.memref_squeeze %dma_start3A_306 : memref<1x!tpu.dma_semaphore, #tpu.memory_space<semaphore_mem>> -> memref<!tpu.dma_semaphore, #tpu.memory_space<semaphore_mem>>
    tpu.enqueue_indirect_dma source(%arg10 : memref<80x64xf32, #tpu.memory_space<vmem>>) target(%dma_start3A_305 : memref<10000x64xf32, #tpu.memory_space<vmem_shared>>) offsets(%dma_start3A_302 : memref<80xi32, #tpu.memory_space<vmem>>) semaphore(%dma_start3A_307 : memref<!tpu.dma_semaphore, #tpu.memory_space<semaphore_mem>>) {add = true}
    %dma_wait3A_308 = arith.constant 246 : i32
    %dma_wait3A_309 = arith.constant 1 : i32
    %dma_wait3A_310 = arith.constant 0 : i32
    %dma_wait3A_311 = tpu.memref_slice %arg8[%dma_wait3A_308, %dma_wait3A_310] : memref<250x80xi32, #tpu.memory_space<vmem>> -> memref<1x80xi32, #tpu.memory_space<vmem>>
    %dma_wait3A_312 = tpu.memref_squeeze %dma_wait3A_311 : memref<1x80xi32, #tpu.memory_space<vmem>> -> memref<80xi32, #tpu.memory_space<vmem>>
    %dma_wait3A_313 = arith.constant 0 : i32
    %dma_wait3A_314 = arith.constant 0 : i32
    %dma_wait3A_315 = tpu.memref_slice %arg14[%dma_wait3A_313, %dma_wait3A_314] : memref<10000x64xf32, #tpu.memory_space<vmem_shared>> -> memref<10000x64xf32, #tpu.memory_space<vmem_shared>>
    %dma_wait3A_316 = tpu.memref_slice %arg16[%dma_wait3A_309] : memref<5x!tpu.dma_semaphore, #tpu.memory_space<semaphore_mem>> -> memref<1x!tpu.dma_semaphore, #tpu.memory_space<semaphore_mem>>
    %dma_wait3A_317 = tpu.memref_squeeze %dma_wait3A_316 : memref<1x!tpu.dma_semaphore, #tpu.memory_space<semaphore_mem>> -> memref<!tpu.dma_semaphore, #tpu.memory_space<semaphore_mem>>
    tpu.wait_indirect_dma semaphore(%dma_wait3A_317 : memref<!tpu.dma_semaphore, #tpu.memory_space<semaphore_mem>>) src(%arg10 : memref<80x64xf32, #tpu.memory_space<vmem>>) dst(%dma_wait3A_315 : memref<10000x64xf32, #tpu.memory_space<vmem_shared>>)
    %dma_wait3A_318 = arith.constant 247 : i32
    %dma_wait3A_319 = arith.constant 2 : i32
    %dma_wait3A_320 = arith.constant 0 : i32
    %dma_wait3A_321 = tpu.memref_slice %arg7[%dma_wait3A_318, %dma_wait3A_320] : memref<250x80xi32, #tpu.memory_space<vmem>> -> memref<1x80xi32, #tpu.memory_space<vmem>>
    %dma_wait3A_322 = tpu.memref_squeeze %dma_wait3A_321 : memref<1x80xi32, #tpu.memory_space<vmem>> -> memref<80xi32, #tpu.memory_space<vmem>>
    %dma_wait3A_323 = arith.constant 0 : i32
    %dma_wait3A_324 = arith.constant 0 : i32
    %dma_wait3A_325 = tpu.memref_slice %arg2[%dma_wait3A_323, %dma_wait3A_324] : memref<20000x64xf32, #tpu.memory_space<hbm>> -> memref<20000x64xf32, #tpu.memory_space<hbm>>
    %dma_wait3A_326 = tpu.memref_slice %arg15[%dma_wait3A_319] : memref<5x!tpu.dma_semaphore, #tpu.memory_space<semaphore_mem>> -> memref<1x!tpu.dma_semaphore, #tpu.memory_space<semaphore_mem>>
    %dma_wait3A_327 = tpu.memref_squeeze %dma_wait3A_326 : memref<1x!tpu.dma_semaphore, #tpu.memory_space<semaphore_mem>> -> memref<!tpu.dma_semaphore, #tpu.memory_space<semaphore_mem>>
    tpu.wait_indirect_dma semaphore(%dma_wait3A_327 : memref<!tpu.dma_semaphore, #tpu.memory_space<semaphore_mem>>) src(%dma_wait3A_325 : memref<20000x64xf32, #tpu.memory_space<hbm>>) dst(%arg11 : memref<80x64xf32, #tpu.memory_space<vmem>>)
    %dma_start3A_328 = arith.constant 247 : i32
    %dma_start3A_329 = arith.constant 2 : i32
    %dma_start3A_330 = arith.constant 0 : i32
    %dma_start3A_331 = tpu.memref_slice %arg8[%dma_start3A_328, %dma_start3A_330] : memref<250x80xi32, #tpu.memory_space<vmem>> -> memref<1x80xi32, #tpu.memory_space<vmem>>
    %dma_start3A_332 = tpu.memref_squeeze %dma_start3A_331 : memref<1x80xi32, #tpu.memory_space<vmem>> -> memref<80xi32, #tpu.memory_space<vmem>>
    %dma_start3A_333 = arith.constant 0 : i32
    %dma_start3A_334 = arith.constant 0 : i32
    %dma_start3A_335 = tpu.memref_slice %arg14[%dma_start3A_333, %dma_start3A_334] : memref<10000x64xf32, #tpu.memory_space<vmem_shared>> -> memref<10000x64xf32, #tpu.memory_space<vmem_shared>>
    %dma_start3A_336 = tpu.memref_slice %arg16[%dma_start3A_329] : memref<5x!tpu.dma_semaphore, #tpu.memory_space<semaphore_mem>> -> memref<1x!tpu.dma_semaphore, #tpu.memory_space<semaphore_mem>>
    %dma_start3A_337 = tpu.memref_squeeze %dma_start3A_336 : memref<1x!tpu.dma_semaphore, #tpu.memory_space<semaphore_mem>> -> memref<!tpu.dma_semaphore, #tpu.memory_space<semaphore_mem>>
    tpu.enqueue_indirect_dma source(%arg11 : memref<80x64xf32, #tpu.memory_space<vmem>>) target(%dma_start3A_335 : memref<10000x64xf32, #tpu.memory_space<vmem_shared>>) offsets(%dma_start3A_332 : memref<80xi32, #tpu.memory_space<vmem>>) semaphore(%dma_start3A_337 : memref<!tpu.dma_semaphore, #tpu.memory_space<semaphore_mem>>) {add = true}
    %dma_wait3A_338 = arith.constant 247 : i32
    %dma_wait3A_339 = arith.constant 2 : i32
    %dma_wait3A_340 = arith.constant 0 : i32
    %dma_wait3A_341 = tpu.memref_slice %arg8[%dma_wait3A_338, %dma_wait3A_340] : memref<250x80xi32, #tpu.memory_space<vmem>> -> memref<1x80xi32, #tpu.memory_space<vmem>>
    %dma_wait3A_342 = tpu.memref_squeeze %dma_wait3A_341 : memref<1x80xi32, #tpu.memory_space<vmem>> -> memref<80xi32, #tpu.memory_space<vmem>>
    %dma_wait3A_343 = arith.constant 0 : i32
    %dma_wait3A_344 = arith.constant 0 : i32
    %dma_wait3A_345 = tpu.memref_slice %arg14[%dma_wait3A_343, %dma_wait3A_344] : memref<10000x64xf32, #tpu.memory_space<vmem_shared>> -> memref<10000x64xf32, #tpu.memory_space<vmem_shared>>
    %dma_wait3A_346 = tpu.memref_slice %arg16[%dma_wait3A_339] : memref<5x!tpu.dma_semaphore, #tpu.memory_space<semaphore_mem>> -> memref<1x!tpu.dma_semaphore, #tpu.memory_space<semaphore_mem>>
    %dma_wait3A_347 = tpu.memref_squeeze %dma_wait3A_346 : memref<1x!tpu.dma_semaphore, #tpu.memory_space<semaphore_mem>> -> memref<!tpu.dma_semaphore, #tpu.memory_space<semaphore_mem>>
    tpu.wait_indirect_dma semaphore(%dma_wait3A_347 : memref<!tpu.dma_semaphore, #tpu.memory_space<semaphore_mem>>) src(%arg11 : memref<80x64xf32, #tpu.memory_space<vmem>>) dst(%dma_wait3A_345 : memref<10000x64xf32, #tpu.memory_space<vmem_shared>>)
    %dma_wait3A_348 = arith.constant 248 : i32
    %dma_wait3A_349 = arith.constant 3 : i32
    %dma_wait3A_350 = arith.constant 0 : i32
    %dma_wait3A_351 = tpu.memref_slice %arg7[%dma_wait3A_348, %dma_wait3A_350] : memref<250x80xi32, #tpu.memory_space<vmem>> -> memref<1x80xi32, #tpu.memory_space<vmem>>
    %dma_wait3A_352 = tpu.memref_squeeze %dma_wait3A_351 : memref<1x80xi32, #tpu.memory_space<vmem>> -> memref<80xi32, #tpu.memory_space<vmem>>
    %dma_wait3A_353 = arith.constant 0 : i32
    %dma_wait3A_354 = arith.constant 0 : i32
    %dma_wait3A_355 = tpu.memref_slice %arg2[%dma_wait3A_353, %dma_wait3A_354] : memref<20000x64xf32, #tpu.memory_space<hbm>> -> memref<20000x64xf32, #tpu.memory_space<hbm>>
    %dma_wait3A_356 = tpu.memref_slice %arg15[%dma_wait3A_349] : memref<5x!tpu.dma_semaphore, #tpu.memory_space<semaphore_mem>> -> memref<1x!tpu.dma_semaphore, #tpu.memory_space<semaphore_mem>>
    %dma_wait3A_357 = tpu.memref_squeeze %dma_wait3A_356 : memref<1x!tpu.dma_semaphore, #tpu.memory_space<semaphore_mem>> -> memref<!tpu.dma_semaphore, #tpu.memory_space<semaphore_mem>>
    tpu.wait_indirect_dma semaphore(%dma_wait3A_357 : memref<!tpu.dma_semaphore, #tpu.memory_space<semaphore_mem>>) src(%dma_wait3A_355 : memref<20000x64xf32, #tpu.memory_space<hbm>>) dst(%arg12 : memref<80x64xf32, #tpu.memory_space<vmem>>)
    %dma_start3A_358 = arith.constant 248 : i32
    %dma_start3A_359 = arith.constant 3 : i32
    %dma_start3A_360 = arith.constant 0 : i32
    %dma_start3A_361 = tpu.memref_slice %arg8[%dma_start3A_358, %dma_start3A_360] : memref<250x80xi32, #tpu.memory_space<vmem>> -> memref<1x80xi32, #tpu.memory_space<vmem>>
    %dma_start3A_362 = tpu.memref_squeeze %dma_start3A_361 : memref<1x80xi32, #tpu.memory_space<vmem>> -> memref<80xi32, #tpu.memory_space<vmem>>
    %dma_start3A_363 = arith.constant 0 : i32
    %dma_start3A_364 = arith.constant 0 : i32
    %dma_start3A_365 = tpu.memref_slice %arg14[%dma_start3A_363, %dma_start3A_364] : memref<10000x64xf32, #tpu.memory_space<vmem_shared>> -> memref<10000x64xf32, #tpu.memory_space<vmem_shared>>
    %dma_start3A_366 = tpu.memref_slice %arg16[%dma_start3A_359] : memref<5x!tpu.dma_semaphore, #tpu.memory_space<semaphore_mem>> -> memref<1x!tpu.dma_semaphore, #tpu.memory_space<semaphore_mem>>
    %dma_start3A_367 = tpu.memref_squeeze %dma_start3A_366 : memref<1x!tpu.dma_semaphore, #tpu.memory_space<semaphore_mem>> -> memref<!tpu.dma_semaphore, #tpu.memory_space<semaphore_mem>>
    tpu.enqueue_indirect_dma source(%arg12 : memref<80x64xf32, #tpu.memory_space<vmem>>) target(%dma_start3A_365 : memref<10000x64xf32, #tpu.memory_space<vmem_shared>>) offsets(%dma_start3A_362 : memref<80xi32, #tpu.memory_space<vmem>>) semaphore(%dma_start3A_367 : memref<!tpu.dma_semaphore, #tpu.memory_space<semaphore_mem>>) {add = true}
    %dma_wait3A_368 = arith.constant 248 : i32
    %dma_wait3A_369 = arith.constant 3 : i32
    %dma_wait3A_370 = arith.constant 0 : i32
    %dma_wait3A_371 = tpu.memref_slice %arg8[%dma_wait3A_368, %dma_wait3A_370] : memref<250x80xi32, #tpu.memory_space<vmem>> -> memref<1x80xi32, #tpu.memory_space<vmem>>
    %dma_wait3A_372 = tpu.memref_squeeze %dma_wait3A_371 : memref<1x80xi32, #tpu.memory_space<vmem>> -> memref<80xi32, #tpu.memory_space<vmem>>
    %dma_wait3A_373 = arith.constant 0 : i32
    %dma_wait3A_374 = arith.constant 0 : i32
    %dma_wait3A_375 = tpu.memref_slice %arg14[%dma_wait3A_373, %dma_wait3A_374] : memref<10000x64xf32, #tpu.memory_space<vmem_shared>> -> memref<10000x64xf32, #tpu.memory_space<vmem_shared>>
    %dma_wait3A_376 = tpu.memref_slice %arg16[%dma_wait3A_369] : memref<5x!tpu.dma_semaphore, #tpu.memory_space<semaphore_mem>> -> memref<1x!tpu.dma_semaphore, #tpu.memory_space<semaphore_mem>>
    %dma_wait3A_377 = tpu.memref_squeeze %dma_wait3A_376 : memref<1x!tpu.dma_semaphore, #tpu.memory_space<semaphore_mem>> -> memref<!tpu.dma_semaphore, #tpu.memory_space<semaphore_mem>>
    tpu.wait_indirect_dma semaphore(%dma_wait3A_377 : memref<!tpu.dma_semaphore, #tpu.memory_space<semaphore_mem>>) src(%arg12 : memref<80x64xf32, #tpu.memory_space<vmem>>) dst(%dma_wait3A_375 : memref<10000x64xf32, #tpu.memory_space<vmem_shared>>)
    %dma_wait3A_378 = arith.constant 249 : i32
    %dma_wait3A_379 = arith.constant 4 : i32
    %dma_wait3A_380 = arith.constant 0 : i32
    %dma_wait3A_381 = tpu.memref_slice %arg7[%dma_wait3A_378, %dma_wait3A_380] : memref<250x80xi32, #tpu.memory_space<vmem>> -> memref<1x80xi32, #tpu.memory_space<vmem>>
    %dma_wait3A_382 = tpu.memref_squeeze %dma_wait3A_381 : memref<1x80xi32, #tpu.memory_space<vmem>> -> memref<80xi32, #tpu.memory_space<vmem>>
    %dma_wait3A_383 = arith.constant 0 : i32
    %dma_wait3A_384 = arith.constant 0 : i32
    %dma_wait3A_385 = tpu.memref_slice %arg2[%dma_wait3A_383, %dma_wait3A_384] : memref<20000x64xf32, #tpu.memory_space<hbm>> -> memref<20000x64xf32, #tpu.memory_space<hbm>>
    %dma_wait3A_386 = tpu.memref_slice %arg15[%dma_wait3A_379] : memref<5x!tpu.dma_semaphore, #tpu.memory_space<semaphore_mem>> -> memref<1x!tpu.dma_semaphore, #tpu.memory_space<semaphore_mem>>
    %dma_wait3A_387 = tpu.memref_squeeze %dma_wait3A_386 : memref<1x!tpu.dma_semaphore, #tpu.memory_space<semaphore_mem>> -> memref<!tpu.dma_semaphore, #tpu.memory_space<semaphore_mem>>
    tpu.wait_indirect_dma semaphore(%dma_wait3A_387 : memref<!tpu.dma_semaphore, #tpu.memory_space<semaphore_mem>>) src(%dma_wait3A_385 : memref<20000x64xf32, #tpu.memory_space<hbm>>) dst(%arg13 : memref<80x64xf32, #tpu.memory_space<vmem>>)
    %dma_start3A_388 = arith.constant 249 : i32
    %dma_start3A_389 = arith.constant 4 : i32
    %dma_start3A_390 = arith.constant 0 : i32
    %dma_start3A_391 = tpu.memref_slice %arg8[%dma_start3A_388, %dma_start3A_390] : memref<250x80xi32, #tpu.memory_space<vmem>> -> memref<1x80xi32, #tpu.memory_space<vmem>>
    %dma_start3A_392 = tpu.memref_squeeze %dma_start3A_391 : memref<1x80xi32, #tpu.memory_space<vmem>> -> memref<80xi32, #tpu.memory_space<vmem>>
    %dma_start3A_393 = arith.constant 0 : i32
    %dma_start3A_394 = arith.constant 0 : i32
    %dma_start3A_395 = tpu.memref_slice %arg14[%dma_start3A_393, %dma_start3A_394] : memref<10000x64xf32, #tpu.memory_space<vmem_shared>> -> memref<10000x64xf32, #tpu.memory_space<vmem_shared>>
    %dma_start3A_396 = tpu.memref_slice %arg16[%dma_start3A_389] : memref<5x!tpu.dma_semaphore, #tpu.memory_space<semaphore_mem>> -> memref<1x!tpu.dma_semaphore, #tpu.memory_space<semaphore_mem>>
    %dma_start3A_397 = tpu.memref_squeeze %dma_start3A_396 : memref<1x!tpu.dma_semaphore, #tpu.memory_space<semaphore_mem>> -> memref<!tpu.dma_semaphore, #tpu.memory_space<semaphore_mem>>
    tpu.enqueue_indirect_dma source(%arg13 : memref<80x64xf32, #tpu.memory_space<vmem>>) target(%dma_start3A_395 : memref<10000x64xf32, #tpu.memory_space<vmem_shared>>) offsets(%dma_start3A_392 : memref<80xi32, #tpu.memory_space<vmem>>) semaphore(%dma_start3A_397 : memref<!tpu.dma_semaphore, #tpu.memory_space<semaphore_mem>>) {add = true}
    %dma_wait3A_398 = arith.constant 249 : i32
    %dma_wait3A_399 = arith.constant 4 : i32
    %dma_wait3A_400 = arith.constant 0 : i32
    %dma_wait3A_401 = tpu.memref_slice %arg8[%dma_wait3A_398, %dma_wait3A_400] : memref<250x80xi32, #tpu.memory_space<vmem>> -> memref<1x80xi32, #tpu.memory_space<vmem>>
    %dma_wait3A_402 = tpu.memref_squeeze %dma_wait3A_401 : memref<1x80xi32, #tpu.memory_space<vmem>> -> memref<80xi32, #tpu.memory_space<vmem>>
    %dma_wait3A_403 = arith.constant 0 : i32
    %dma_wait3A_404 = arith.constant 0 : i32
    %dma_wait3A_405 = tpu.memref_slice %arg14[%dma_wait3A_403, %dma_wait3A_404] : memref<10000x64xf32, #tpu.memory_space<vmem_shared>> -> memref<10000x64xf32, #tpu.memory_space<vmem_shared>>
    %dma_wait3A_406 = tpu.memref_slice %arg16[%dma_wait3A_399] : memref<5x!tpu.dma_semaphore, #tpu.memory_space<semaphore_mem>> -> memref<1x!tpu.dma_semaphore, #tpu.memory_space<semaphore_mem>>
    %dma_wait3A_407 = tpu.memref_squeeze %dma_wait3A_406 : memref<1x!tpu.dma_semaphore, #tpu.memory_space<semaphore_mem>> -> memref<!tpu.dma_semaphore, #tpu.memory_space<semaphore_mem>>
    tpu.wait_indirect_dma semaphore(%dma_wait3A_407 : memref<!tpu.dma_semaphore, #tpu.memory_space<semaphore_mem>>) src(%arg13 : memref<80x64xf32, #tpu.memory_space<vmem>>) dst(%dma_wait3A_405 : memref<10000x64xf32, #tpu.memory_space<vmem_shared>>)
    %barrier3A_408 = arith.constant 0 : index
    tpu.barrier barrier_id(%barrier3A_408)
    %mul3A_409 = arith.constant 624 : i32
    %mul3A_410 = arith.muli %arg1, %mul3A_409 : i32
    %mul3A_411 = arith.constant 624 : i32
    %mul3A_412 = arith.muli %arg1, %mul3A_411 : i32
    "tpu.region"() ({
      %run_scoped3A = tpu.sem_alloc : memref<!tpu.dma_semaphore, #tpu.memory_space<semaphore_mem>>
      %dma_start3A_418 = arith.constant 0 : i32
      %dma_start3A_419 = tpu.memref_slice %arg6[%arg0, %mul3A_412, %dma_start3A_418] : memref<2x10000x64xf32, #tpu.memory_space<hbm>> -> memref<1x624x64xf32, #tpu.memory_space<hbm>>
      %dma_start3A_420 = tpu.memref_squeeze %dma_start3A_419 : memref<1x624x64xf32, #tpu.memory_space<hbm>> -> memref<624x64xf32, #tpu.memory_space<hbm>>
      %dma_start3A_421 = arith.constant 0 : i32
      %dma_start3A_422 = tpu.memref_slice %arg14[%mul3A_410, %dma_start3A_421] : memref<10000x64xf32, #tpu.memory_space<vmem_shared>> -> memref<624x64xf32, #tpu.memory_space<vmem_shared>>
      tpu.enqueue_dma source(%dma_start3A_422 : memref<624x64xf32, #tpu.memory_space<vmem_shared>>) target(%dma_start3A_420 : memref<624x64xf32, #tpu.memory_space<hbm>>) target_semaphore(%run_scoped3A : memref<!tpu.dma_semaphore, #tpu.memory_space<semaphore_mem>>)
      %dma_wait3A_423 = arith.constant 0 : i32
      %dma_wait3A_424 = tpu.memref_slice %arg6[%arg0, %mul3A_412, %dma_wait3A_423] : memref<2x10000x64xf32, #tpu.memory_space<hbm>> -> memref<1x624x64xf32, #tpu.memory_space<hbm>>
      %dma_wait3A_425 = tpu.memref_squeeze %dma_wait3A_424 : memref<1x624x64xf32, #tpu.memory_space<hbm>> -> memref<624x64xf32, #tpu.memory_space<hbm>>
      %dma_wait3A_426 = arith.constant 0 : i32
      %dma_wait3A_427 = tpu.memref_slice %arg14[%mul3A_410, %dma_wait3A_426] : memref<10000x64xf32, #tpu.memory_space<vmem_shared>> -> memref<624x64xf32, #tpu.memory_space<vmem_shared>>
      tpu.wait_dma2 semaphore(%run_scoped3A : memref<!tpu.dma_semaphore, #tpu.memory_space<semaphore_mem>>) src(%dma_wait3A_427 : memref<624x64xf32, #tpu.memory_space<vmem_shared>>) dst(%dma_wait3A_425 : memref<624x64xf32, #tpu.memory_space<hbm>>)
      tpu.yield
    }) : () -> ()
    %eq3A_413 = arith.constant 0 : i32
    %eq3A_414 = arith.cmpi eq, %arg1, %eq3A_413 : i32
    %convert_element_type3A_415 = arith.extui %eq3A_414 : i1 to i32
    %cond3A_416 = arith.constant 0 : i32
    %cond3A_417 = arith.cmpi ne, %convert_element_type3A_415, %cond3A_416 : i32
    scf.if %cond3A_417 {
      "tpu.region"() ({
        %run_scoped3A = tpu.sem_alloc : memref<!tpu.dma_semaphore, #tpu.memory_space<semaphore_mem>>
        %dma_start3A_418 = arith.constant 9984 : i32
        %dma_start3A_419 = arith.constant 0 : i32
        %dma_start3A_420 = tpu.memref_slice %arg6[%arg0, %dma_start3A_418, %dma_start3A_419] : memref<2x10000x64xf32, #tpu.memory_space<hbm>> -> memref<1x16x64xf32, #tpu.memory_space<hbm>>
        %dma_start3A_421 = tpu.memref_squeeze %dma_start3A_420 : memref<1x16x64xf32, #tpu.memory_space<hbm>> -> memref<16x64xf32, #tpu.memory_space<hbm>>
        %dma_start3A_422 = arith.constant 9984 : i32
        %dma_start3A_423 = arith.constant 0 : i32
        %dma_start3A_424 = tpu.memref_slice %arg14[%dma_start3A_422, %dma_start3A_423] : memref<10000x64xf32, #tpu.memory_space<vmem_shared>> -> memref<16x64xf32, #tpu.memory_space<vmem_shared>>
        tpu.enqueue_dma source(%dma_start3A_424 : memref<16x64xf32, #tpu.memory_space<vmem_shared>>) target(%dma_start3A_421 : memref<16x64xf32, #tpu.memory_space<hbm>>) target_semaphore(%run_scoped3A : memref<!tpu.dma_semaphore, #tpu.memory_space<semaphore_mem>>)
        %dma_wait3A_425 = arith.constant 9984 : i32
        %dma_wait3A_426 = arith.constant 0 : i32
        %dma_wait3A_427 = tpu.memref_slice %arg6[%arg0, %dma_wait3A_425, %dma_wait3A_426] : memref<2x10000x64xf32, #tpu.memory_space<hbm>> -> memref<1x16x64xf32, #tpu.memory_space<hbm>>
        %dma_wait3A_428 = tpu.memref_squeeze %dma_wait3A_427 : memref<1x16x64xf32, #tpu.memory_space<hbm>> -> memref<16x64xf32, #tpu.memory_space<hbm>>
        %dma_wait3A_429 = arith.constant 9984 : i32
        %dma_wait3A_430 = arith.constant 0 : i32
        %dma_wait3A_431 = tpu.memref_slice %arg14[%dma_wait3A_429, %dma_wait3A_430] : memref<10000x64xf32, #tpu.memory_space<vmem_shared>> -> memref<16x64xf32, #tpu.memory_space<vmem_shared>>
        tpu.wait_dma2 semaphore(%run_scoped3A : memref<!tpu.dma_semaphore, #tpu.memory_space<semaphore_mem>>) src(%dma_wait3A_431 : memref<16x64xf32, #tpu.memory_space<vmem_shared>>) dst(%dma_wait3A_428 : memref<16x64xf32, #tpu.memory_space<hbm>>)
        tpu.yield
      }) : () -> ()
    } else {
    }
    return
  }
}

module attributes {stable_mosaic.version = 14 : i64} {
  func.func @_mm_body(%arg0: i32, %arg1: memref<2000x128xf32, #tpu.memory_space<vmem>>, %arg2: memref<128x128xf32, #tpu.memory_space<vmem>>, %arg3: memref<2000x128xf32, #tpu.memory_space<vmem>>) attributes {dimension_semantics = [#tpu.dimension_semantics<arbitrary>], iteration_bounds = array<i64: 5>, scalar_prefetch = 0 : i64, scratch_operands = 0 : i64, tpu.core_type = #tpu.core_type<tc>, window_params = [{transform_indices = @transform_0, window_bounds = array<i64: 2000, 128>}, {pipeline_mode = #tpu.pipeline_mode<synchronous>, transform_indices = @transform_1, window_bounds = array<i64: 128, 128>}, {transform_indices = @transform_2, window_bounds = array<i64: 2000, 128>}]} {
    %get3A = arith.constant 0 : index
    %get3A_0 = arith.constant 0 : index
    %get3A_1 = vector.load %arg1[%get3A, %get3A_0] : memref<2000x128xf32, #tpu.memory_space<vmem>>, vector<2000x128xf32>
    %get3A_2 = arith.constant 0 : index
    %get3A_3 = arith.constant 0 : index
    %get3A_4 = vector.load %arg2[%get3A_2, %get3A_3] : memref<128x128xf32, #tpu.memory_space<vmem>>, vector<128x128xf32>
    %dot_general3A = arith.constant dense<0.000000e+00> : vector<2000x128xf32>
    %dot_general3A_5 = tpu.matmul %get3A_1, %get3A_4, %dot_general3A {dimension_numbers = #tpu.dot_dimension_numbers<[1], [0], [0], [1], [0, 0, 1, 1], [], []>, transpose_lhs_hint = false} : vector<2000x128xf32>, vector<128x128xf32>, vector<2000x128xf32> -> vector<2000x128xf32>
    %swap3A = arith.constant 0 : index
    %swap3A_6 = arith.constant 0 : index
    %swap3A_7 = vector.load %arg3[%swap3A, %swap3A_6] : memref<2000x128xf32, #tpu.memory_space<vmem>>, vector<2000x128xf32>
    tpu.vector_store %arg3[%swap3A, %swap3A_6], %dot_general3A_5 {strides = array<i32>} : memref<2000x128xf32, #tpu.memory_space<vmem>>, vector<2000x128xf32>,
    return
  }
  func.func @transform_0(%arg0: i32) -> (i32, i32) {
    %c0_i32 = arith.constant 0 : i32
    %c0_i32_0 = arith.constant 0 : i32
    return %arg0, %c0_i32 : i32, i32
  }
  func.func @transform_1(%arg0: i32) -> (i32, i32) {
    %c0_i32 = arith.constant 0 : i32
    %c0_i32_0 = arith.constant 0 : i32
    %c0_i32_1 = arith.constant 0 : i32
    return %c0_i32, %c0_i32_0 : i32, i32
  }
  func.func @transform_2(%arg0: i32) -> (i32, i32) {
    %c0_i32 = arith.constant 0 : i32
    %c0_i32_0 = arith.constant 0 : i32
    return %arg0, %c0_i32 : i32, i32
  }
}

module attributes {stable_mosaic.version = 14 : i64} {
  func.func @_scale_body(%arg0: i32, %arg1: memref<2000x128xf32, #tpu.memory_space<vmem>>, %arg2: memref<2x2000x1xf32, #tpu.memory_space<vmem>>, %arg3: memref<2x2000x64xf32, #tpu.memory_space<vmem>>) attributes {dimension_semantics = [#tpu.dimension_semantics<arbitrary>], iteration_bounds = array<i64: 5>, scalar_prefetch = 0 : i64, scratch_operands = 0 : i64, tpu.core_type = #tpu.core_type<tc>, window_params = [{transform_indices = @transform_0, window_bounds = array<i64: 2000, 128>}, {transform_indices = @transform_1, window_bounds = array<i64: 2, 2000, 1>}, {transform_indices = @transform_2, window_bounds = array<i64: 2, 2000, 64>}]} {
    %get3A = arith.constant 0 : index
    %get3A_0 = arith.constant 0 : index
    %get3A_1 = arith.constant 0 : index
    %get3A_2 = vector.load %arg2[%get3A, %get3A_0, %get3A_1] : memref<2x2000x1xf32, #tpu.memory_space<vmem>>, vector<1x2000x1xf32>
    %get3A_3 = vector.shape_cast %get3A_2 : vector<1x2000x1xf32> to vector<2000x1xf32>
    %get3A_4 = arith.constant 1 : index
    %get3A_5 = arith.constant 0 : index
    %get3A_6 = arith.constant 0 : index
    %get3A_7 = vector.load %arg2[%get3A_4, %get3A_5, %get3A_6] : memref<2x2000x1xf32, #tpu.memory_space<vmem>>, vector<1x2000x1xf32>
    %get3A_8 = vector.shape_cast %get3A_7 : vector<1x2000x1xf32> to vector<2000x1xf32>
    %add3A = arith.addf %get3A_3, %get3A_8 : vector<2000x1xf32>
    %add3A_9 = arith.constant 1.000000e+00 : f32
    %add3A_10 = vector.broadcast %add3A_9 : f32 to vector<2000x1xf32>
    %add3A_11 = arith.addf %add3A, %add3A_10 : vector<2000x1xf32>
    %rsqrt3A = math.rsqrt %add3A_11 : vector<2000x1xf32>
    %get3A_12 = arith.constant 0 : index
    %get3A_13 = arith.constant 0 : index
    %get3A_14 = vector.load %arg1[%get3A_12, %get3A_13] : memref<2000x128xf32, #tpu.memory_space<vmem>>, vector<2000x128xf32>
    %mul3A = vector.broadcast %rsqrt3A : vector<2000x1xf32> to vector<2000x128xf32>
    %mul3A_15 = arith.mulf %get3A_14, %mul3A : vector<2000x128xf32>
    %slice3A = vector.extract_strided_slice %mul3A_15 {offsets = [0, 0], sizes = [2000, 64], strides = [1, 1]} : vector<2000x128xf32> to vector<2000x64xf32>
    %swap3A = arith.constant 0 : index
    %swap3A_16 = arith.constant 0 : index
    %swap3A_17 = arith.constant 0 : index
    %swap3A_18 = vector.load %arg3[%swap3A, %swap3A_16, %swap3A_17] : memref<2x2000x64xf32, #tpu.memory_space<vmem>>, vector<1x2000x64xf32>
    %swap3A_19 = vector.shape_cast %swap3A_18 : vector<1x2000x64xf32> to vector<2000x64xf32>
    %swap3A_20 = vector.shape_cast %slice3A : vector<2000x64xf32> to vector<1x2000x64xf32>
    tpu.vector_store %arg3[%swap3A, %swap3A_16, %swap3A_17], %swap3A_20 {strides = array<i32>} : memref<2x2000x64xf32, #tpu.memory_space<vmem>>, vector<1x2000x64xf32>,
    %slice3A_21 = vector.extract_strided_slice %mul3A_15 {offsets = [0, 64], sizes = [2000, 64], strides = [1, 1]} : vector<2000x128xf32> to vector<2000x64xf32>
    %swap3A_22 = arith.constant 1 : index
    %swap3A_23 = arith.constant 0 : index
    %swap3A_24 = arith.constant 0 : index
    %swap3A_25 = vector.load %arg3[%swap3A_22, %swap3A_23, %swap3A_24] : memref<2x2000x64xf32, #tpu.memory_space<vmem>>, vector<1x2000x64xf32>
    %swap3A_26 = vector.shape_cast %swap3A_25 : vector<1x2000x64xf32> to vector<2000x64xf32>
    %swap3A_27 = vector.shape_cast %slice3A_21 : vector<2000x64xf32> to vector<1x2000x64xf32>
    tpu.vector_store %arg3[%swap3A_22, %swap3A_23, %swap3A_24], %swap3A_27 {strides = array<i32>} : memref<2x2000x64xf32, #tpu.memory_space<vmem>>, vector<1x2000x64xf32>,
    return
  }
  func.func @transform_0(%arg0: i32) -> (i32, i32) {
    %c0_i32 = arith.constant 0 : i32
    %c0_i32_0 = arith.constant 0 : i32
    return %arg0, %c0_i32 : i32, i32
  }
  func.func @transform_1(%arg0: i32) -> (i32, i32, i32) {
    %c0_i32 = arith.constant 0 : i32
    %c0_i32_0 = arith.constant 0 : i32
    %c0_i32_1 = arith.constant 0 : i32
    return %c0_i32, %arg0, %c0_i32_0 : i32, i32, i32
  }
  func.func @transform_2(%arg0: i32) -> (i32, i32, i32) {
    %c0_i32 = arith.constant 0 : i32
    %c0_i32_0 = arith.constant 0 : i32
    %c0_i32_1 = arith.constant 0 : i32
    return %c0_i32, %arg0, %c0_i32_0 : i32, i32, i32
  }
}

module attributes {stable_mosaic.version = 14 : i64} {
  func.func @_heads_body(%arg0: i32, %arg1: memref<2x2000x64xf32, #tpu.memory_space<vmem>>, %arg2: memref<2x2000x64xf32, #tpu.memory_space<vmem>>, %arg3: memref<2x2000x1xf32, #tpu.memory_space<vmem>>, %arg4: memref<1x128xf32, #tpu.memory_space<vmem>>, %arg5: memref<128x128xf32, #tpu.memory_space<vmem>>, %arg6: memref<1x128xf32, #tpu.memory_space<vmem>>, %arg7: memref<128x128xf32, #tpu.memory_space<vmem>>, %arg8: memref<1x128xf32, #tpu.memory_space<vmem>>, %arg9: memref<2000x128xf32, #tpu.memory_space<vmem>>, %arg10: memref<2000x128xf32, #tpu.memory_space<vmem>>) attributes {dimension_semantics = [#tpu.dimension_semantics<arbitrary>], iteration_bounds = array<i64: 5>, scalar_prefetch = 0 : i64, scratch_operands = 0 : i64, tpu.core_type = #tpu.core_type<tc>, window_params = [{transform_indices = @transform_0, window_bounds = array<i64: 2, 2000, 64>}, {transform_indices = @transform_1, window_bounds = array<i64: 2, 2000, 64>}, {transform_indices = @transform_2, window_bounds = array<i64: 2, 2000, 1>}, {pipeline_mode = #tpu.pipeline_mode<synchronous>, transform_indices = @transform_3, window_bounds = array<i64: 1, 128>}, {pipeline_mode = #tpu.pipeline_mode<synchronous>, transform_indices = @transform_4, window_bounds = array<i64: 128, 128>}, {pipeline_mode = #tpu.pipeline_mode<synchronous>, transform_indices = @transform_5, window_bounds = array<i64: 1, 128>}, {pipeline_mode = #tpu.pipeline_mode<synchronous>, transform_indices = @transform_6, window_bounds = array<i64: 128, 128>}, {pipeline_mode = #tpu.pipeline_mode<synchronous>, transform_indices = @transform_7, window_bounds = array<i64: 1, 128>}, {transform_indices = @transform_8, window_bounds = array<i64: 2000, 128>}, {transform_indices = @transform_9, window_bounds = array<i64: 2000, 128>}]} {
    %get3A = arith.constant 0 : index
    %get3A_0 = arith.constant 0 : index
    %get3A_1 = arith.constant 0 : index
    %get3A_2 = vector.load %arg3[%get3A, %get3A_0, %get3A_1] : memref<2x2000x1xf32, #tpu.memory_space<vmem>>, vector<1x2000x1xf32>
    %get3A_3 = vector.shape_cast %get3A_2 : vector<1x2000x1xf32> to vector<2000x1xf32>
    %get3A_4 = arith.constant 1 : index
    %get3A_5 = arith.constant 0 : index
    %get3A_6 = arith.constant 0 : index
    %get3A_7 = vector.load %arg3[%get3A_4, %get3A_5, %get3A_6] : memref<2x2000x1xf32, #tpu.memory_space<vmem>>, vector<1x2000x1xf32>
    %get3A_8 = vector.shape_cast %get3A_7 : vector<1x2000x1xf32> to vector<2000x1xf32>
    %add3A = arith.addf %get3A_3, %get3A_8 : vector<2000x1xf32>
    %add3A_9 = arith.constant 1.000000e+00 : f32
    %add3A_10 = vector.broadcast %add3A_9 : f32 to vector<2000x1xf32>
    %add3A_11 = arith.addf %add3A, %add3A_10 : vector<2000x1xf32>
    %rsqrt3A = math.rsqrt %add3A_11 : vector<2000x1xf32>
    %get3A_12 = arith.constant 0 : index
    %get3A_13 = arith.constant 0 : index
    %get3A_14 = arith.constant 0 : index
    %get3A_15 = vector.load %arg1[%get3A_12, %get3A_13, %get3A_14] : memref<2x2000x64xf32, #tpu.memory_space<vmem>>, vector<1x2000x64xf32>
    %get3A_16 = vector.shape_cast %get3A_15 : vector<1x2000x64xf32> to vector<2000x64xf32>
    %get3A_17 = arith.constant 0 : index
    %get3A_18 = arith.constant 0 : index
    %get3A_19 = arith.constant 0 : index
    %get3A_20 = vector.load %arg2[%get3A_17, %get3A_18, %get3A_19] : memref<2x2000x64xf32, #tpu.memory_space<vmem>>, vector<1x2000x64xf32>
    %get3A_21 = vector.shape_cast %get3A_20 : vector<1x2000x64xf32> to vector<2000x64xf32>
    %add3A_22 = arith.addf %get3A_16, %get3A_21 : vector<2000x64xf32>
    %get3A_23 = arith.constant 1 : index
    %get3A_24 = arith.constant 0 : index
    %get3A_25 = arith.constant 0 : index
    %get3A_26 = vector.load %arg1[%get3A_23, %get3A_24, %get3A_25] : memref<2x2000x64xf32, #tpu.memory_space<vmem>>, vector<1x2000x64xf32>
    %get3A_27 = vector.shape_cast %get3A_26 : vector<1x2000x64xf32> to vector<2000x64xf32>
    %get3A_28 = arith.constant 1 : index
    %get3A_29 = arith.constant 0 : index
    %get3A_30 = arith.constant 0 : index
    %get3A_31 = vector.load %arg2[%get3A_28, %get3A_29, %get3A_30] : memref<2x2000x64xf32, #tpu.memory_space<vmem>>, vector<1x2000x64xf32>
    %get3A_32 = vector.shape_cast %get3A_31 : vector<1x2000x64xf32> to vector<2000x64xf32>
    %add3A_33 = arith.addf %get3A_27, %get3A_32 : vector<2000x64xf32>
    %concatenate3A = tpu.concatenate %add3A_22, %add3A_33 in 1 : vector<2000x64xf32>, vector<2000x64xf32> -> vector<2000x128xf32>
    %mul3A = vector.broadcast %rsqrt3A : vector<2000x1xf32> to vector<2000x128xf32>
    %mul3A_34 = arith.mulf %concatenate3A, %mul3A : vector<2000x128xf32>
    %get3A_35 = arith.constant 0 : index
    %get3A_36 = arith.constant 0 : index
    %get3A_37 = vector.load %arg4[%get3A_35, %get3A_36] : memref<1x128xf32, #tpu.memory_space<vmem>>, vector<1x128xf32>
    %add3A_38 = vector.broadcast %get3A_37 : vector<1x128xf32> to vector<2000x128xf32>
    %add3A_39 = arith.addf %mul3A_34, %add3A_38 : vector<2000x128xf32>
    %max3A = arith.constant 0.000000e+00 : f32
    %max3A_40 = vector.broadcast %max3A : f32 to vector<2000x128xf32>
    %max3A_41 = arith.maximumf %add3A_39, %max3A_40 : vector<2000x128xf32>
    %get3A_42 = arith.constant 0 : index
    %get3A_43 = arith.constant 0 : index
    %get3A_44 = vector.load %arg5[%get3A_42, %get3A_43] : memref<128x128xf32, #tpu.memory_space<vmem>>, vector<128x128xf32>
    %dot_general3A = arith.constant dense<0.000000e+00> : vector<2000x128xf32>
    %dot_general3A_45 = tpu.matmul %max3A_41, %get3A_44, %dot_general3A {dimension_numbers = #tpu.dot_dimension_numbers<[1], [0], [0], [1], [0, 0, 1, 1], [], []>, transpose_lhs_hint = false} : vector<2000x128xf32>, vector<128x128xf32>, vector<2000x128xf32> -> vector<2000x128xf32>
    %get3A_46 = arith.constant 0 : index
    %get3A_47 = arith.constant 0 : index
    %get3A_48 = vector.load %arg6[%get3A_46, %get3A_47] : memref<1x128xf32, #tpu.memory_space<vmem>>, vector<1x128xf32>
    %add3A_49 = vector.broadcast %get3A_48 : vector<1x128xf32> to vector<2000x128xf32>
    %add3A_50 = arith.addf %dot_general3A_45, %add3A_49 : vector<2000x128xf32>
    %swap3A = arith.constant 0 : index
    %swap3A_51 = arith.constant 0 : index
    %swap3A_52 = vector.load %arg9[%swap3A, %swap3A_51] : memref<2000x128xf32, #tpu.memory_space<vmem>>, vector<2000x128xf32>
    tpu.vector_store %arg9[%swap3A, %swap3A_51], %add3A_50 {strides = array<i32>} : memref<2000x128xf32, #tpu.memory_space<vmem>>, vector<2000x128xf32>,
    %get3A_53 = arith.constant 0 : index
    %get3A_54 = arith.constant 0 : index
    %get3A_55 = vector.load %arg7[%get3A_53, %get3A_54] : memref<128x128xf32, #tpu.memory_space<vmem>>, vector<128x128xf32>
    %dot_general3A_56 = arith.constant dense<0.000000e+00> : vector<2000x128xf32>
    %dot_general3A_57 = tpu.matmul %max3A_41, %get3A_55, %dot_general3A_56 {dimension_numbers = #tpu.dot_dimension_numbers<[1], [0], [0], [1], [0, 0, 1, 1], [], []>, transpose_lhs_hint = false} : vector<2000x128xf32>, vector<128x128xf32>, vector<2000x128xf32> -> vector<2000x128xf32>
    %get3A_58 = arith.constant 0 : index
    %get3A_59 = arith.constant 0 : index
    %get3A_60 = vector.load %arg8[%get3A_58, %get3A_59] : memref<1x128xf32, #tpu.memory_space<vmem>>, vector<1x128xf32>
    %add3A_61 = vector.broadcast %get3A_60 : vector<1x128xf32> to vector<2000x128xf32>
    %add3A_62 = arith.addf %dot_general3A_57, %add3A_61 : vector<2000x128xf32>
    %swap3A_63 = arith.constant 0 : index
    %swap3A_64 = arith.constant 0 : index
    %swap3A_65 = vector.load %arg10[%swap3A_63, %swap3A_64] : memref<2000x128xf32, #tpu.memory_space<vmem>>, vector<2000x128xf32>
    tpu.vector_store %arg10[%swap3A_63, %swap3A_64], %add3A_62 {strides = array<i32>} : memref<2000x128xf32, #tpu.memory_space<vmem>>, vector<2000x128xf32>,
    return
  }
  func.func @transform_0(%arg0: i32) -> (i32, i32, i32) {
    %c0_i32 = arith.constant 0 : i32
    %c0_i32_0 = arith.constant 0 : i32
    %c0_i32_1 = arith.constant 0 : i32
    return %c0_i32, %arg0, %c0_i32_0 : i32, i32, i32
  }
  func.func @transform_1(%arg0: i32) -> (i32, i32, i32) {
    %c0_i32 = arith.constant 0 : i32
    %c0_i32_0 = arith.constant 0 : i32
    %c0_i32_1 = arith.constant 0 : i32
    return %c0_i32, %arg0, %c0_i32_0 : i32, i32, i32
  }
  func.func @transform_2(%arg0: i32) -> (i32, i32, i32) {
    %c0_i32 = arith.constant 0 : i32
    %c0_i32_0 = arith.constant 0 : i32
    %c0_i32_1 = arith.constant 0 : i32
    return %c0_i32, %arg0, %c0_i32_0 : i32, i32, i32
  }
  func.func @transform_3(%arg0: i32) -> (i32, i32) {
    %c0_i32 = arith.constant 0 : i32
    %c0_i32_0 = arith.constant 0 : i32
    %c0_i32_1 = arith.constant 0 : i32
    return %c0_i32, %c0_i32_0 : i32, i32
  }
  func.func @transform_4(%arg0: i32) -> (i32, i32) {
    %c0_i32 = arith.constant 0 : i32
    %c0_i32_0 = arith.constant 0 : i32
    %c0_i32_1 = arith.constant 0 : i32
    return %c0_i32, %c0_i32_0 : i32, i32
  }
  func.func @transform_5(%arg0: i32) -> (i32, i32) {
    %c0_i32 = arith.constant 0 : i32
    %c0_i32_0 = arith.constant 0 : i32
    %c0_i32_1 = arith.constant 0 : i32
    return %c0_i32, %c0_i32_0 : i32, i32
  }
  func.func @transform_6(%arg0: i32) -> (i32, i32) {
    %c0_i32 = arith.constant 0 : i32
    %c0_i32_0 = arith.constant 0 : i32
    %c0_i32_1 = arith.constant 0 : i32
    return %c0_i32, %c0_i32_0 : i32, i32
  }
  func.func @transform_7(%arg0: i32) -> (i32, i32) {
    %c0_i32 = arith.constant 0 : i32
    %c0_i32_0 = arith.constant 0 : i32
    %c0_i32_1 = arith.constant 0 : i32
    return %c0_i32, %c0_i32_0 : i32, i32
  }
  func.func @transform_8(%arg0: i32) -> (i32, i32) {
    %c0_i32 = arith.constant 0 : i32
    %c0_i32_0 = arith.constant 0 : i32
    return %arg0, %c0_i32 : i32, i32
  }
  func.func @transform_9(%arg0: i32) -> (i32, i32) {
    %c0_i32 = arith.constant 0 : i32
    %c0_i32_0 = arith.constant 0 : i32
    return %arg0, %c0_i32 : i32, i32
  }
}

</mosaic_0001>

<sc_bundles>
// kernel: kernel.10.cloned.1.call-start
scs
__scs_entry_jumppad:
0x0: {  	(pc) =	sbr.rel $0x88, $3  }
0x1: {  	(tag) =	ssettag $0x0;
	lr =	simm.s32 $0x1  }
0x2: {  	[smem:$0x3F99] =	sst lr;
	_ =	strace $0xD0000000  }
0x3: {  	_ = 	snop  }
0x4: {  	_ = 	snop  }
0x5: {  	_ = 	snop  }
0x6: {  	_ = 	snop  }
0x7: {  	_ = 	snop  }
__scs_overlays_trampoline_lowered:
0x8: {  	[smem:$0x3FA8] =	sst s0  }
0x9: {  	[smem:$0x3FA9] =	sst s1  }
0xa: {  	[smem:$0x3FAA] =	sst s2  }
0xb: {  	[smem:$0x3FAB] =	sst s3  }
0xc: {  	[smem:$0x3FAC] =	sst s4  }
0xd: {  	[smem:$0x3FAD] =	sst s5  }
0xe: {  	[smem:$0x3FAE] =	sst s6  }
0xf: {  	[smem:$0x3FAF] =	sst s7  }
0x10: {  	[smem:$0x3FB0] =	sst s8  }
0x11: {  	[smem:$0x3FB1] =	sst s9;
	s0 =	simm.s32 @!p0 $0x0  }
0x12: {  	s1 =	sld [smem:$0x3F97];
	s0 =	simm.s32 @p0 $0x1  }
0x13: {  	[smem:$0x3FB2] =	sst s0;
	s0 =	simm.s32 @!p1 $0x0  }
0x14: {  	s2 =	sld [smem:$0x3F96];
	s0 =	simm.s32 @p1 $0x1  }
0x15: {  	[smem:$0x3FB3] =	sst s0;
	s0 =	simm.s32 @!p2 $0x0  }
0x16: {  	s3 =	sld [smem:$0x3FDB];
	s0 =	simm.s32 @p2 $0x1  }
0x17: {  	s4 =	simm.s32 $0x1BF5;
	[smem:$0x3FB5] =	sst s0  }
0x18: {  	s0 =	sld [smem:$0x3F98];
	_ =	swait.ge [sflag:s4], $0x0  }
0x19: {  	s7 =	sld [smem:$0x3F99]  }
0x1a: {  	s8 =	sadd.s32 $0xFFFFE003, lr  }
0x1b: {  	s9 =	sadd.s32 $0xFFFFFEF7, lr;
	s5 =	simm.s32 $0xFFFFFFFF;
	p2 =	slt.u32 s8, $0xFFFFF086  }
0x1c: {  	p1 =	slt.u32 s9, $0xF7A;
	s5 =	simm.s32 @!p2 $0x0  }
0x1d: {  	s5 =	simm.s32 @p1 $0x1;
	p0 =	seq.s32 s7, s2  }
0x1e: {  	s7 =	smul.u32 @!p0 $0xF7A, s2;
	p2 =	seq.s32 @!p0 s5, $0x0  }
0x1f: {  	s9 =	smul.u32 $0xF7A, s1;
	s8 =	simm.s32 @!p0 $0x1BF5;
	p2 =	por !p2, p0  }
0x20: {  	[sflag:s8] =	ssyncset.s32 @!p0 $0xFFFFF086;
	s6 =	sadd.s32 @!p0 s3, s7;
	s7 =	simm.s32 @!p0 $0x108  }
0x21: {  	s3 =	sadd.s32 s3, s9;
	s6 =	sadd.s32 @!p0 $0x88, s6;
	s7 =	simm.s32 @p2 $0x1082  }
0x22: {  	[simem:s7], [sflag:s8] =	dma.local @!p0 [hbm:s6], $0xF7A  }
0x23: {  	s9 =	sor.u32 $0xD0000000, s2;
	s6 =	simm.s32 $0x108;
	_ =	swait.ge @!p0 [sflag:s8], $0x0  }
0x24: {  	s3 =	sadd.s32 $0x88, s3;
	s6 =	simm.s32 @!p1 $0x1082;
	[sflag:s4] =	ssyncset.s32 $0xFFFFF086  }
0x25: {  	[simem:s6], [sflag:s4] =	dma.local [hbm:s3], $0xF7A  }
0x26: {  	[smem:$0x3F99] =	sst s1;
	(tag) =	ssettag s2;
	_ =	strace s9  }
0x27: {  	s1 =	sld [smem:$0x3FA9]  }
0x28: {  	s2 =	sld [smem:$0x3FAA]  }
0x29: {  	s4 =	sld [smem:$0x3FAC]  }
0x2a: {  	p0 =	seq.s32 s5, $0x0;
	s5 =	sld [smem:$0x3FAD]  }
0x2b: {  	s6 =	sld [smem:$0x3FAE]  }
0x2c: {  	s7 =	sld [smem:$0x3FAF]  }
0x2d: {  	s3 =	simm.s32 $0x108;
	s8 =	sld [smem:$0x3FB0]  }
0x2e: {  	s3 =	simm.s32 @!p0 $0x1082;
	s9 =	sld [smem:$0x3FB1]  }
0x2f: {  	lr =	sadd.s32 s0, s3;
	s0 =	sld [smem:$0x3FA8]  }
0x30: {  	s3 =	sld [smem:$0x3FAB]  }
0x31: {  	[smem:$0x3FB4] =	sst s10  }
0x32: {  	s10 =	sld [smem:$0x3FB2];
	_ =	sdelay $0x3  }
0x33: {  	p0 =	seq.s32 s10, $0x1;
	s10 =	sld [smem:$0x3FB4];
	_ =	sdelay $0x3  }
0x34: {  	[smem:$0x3FB4] =	sst s10  }
0x35: {  	s10 =	sld [smem:$0x3FB3];
	_ =	sdelay $0x3  }
0x36: {  	p1 =	seq.s32 s10, $0x1;
	s10 =	sld [smem:$0x3FB4];
	_ =	sdelay $0x3  }
0x37: {  	[smem:$0x3FB4] =	sst s10  }
0x38: {  	s10 =	sld [smem:$0x3FB5]  }
0x39: {  	_ = 	snop;
	(pc) =	sbr.ind lr, $3  }
0x3a: {  	_ = 	snop  }
0x3b: {  	_ = 	snop  }
0x3c: {  	p2 =	seq.s32 s10, $0x1;
	s10 =	sld [smem:$0x3FB4]  }
0x3d: {  	_ =	shalt  }
0x3e: {  	_ =	shalt  }
0x3f: {  	_ =	shalt  }
0x40: {  	_ =	shalt  }
0x41: {  	_ =	shalt  }
0x42: {  	_ =	shalt  }
0x43: {  	_ =	shalt  }
0x44: {  	_ =	shalt  }
0x45: {  	_ =	shalt  }
0x46: {  	_ =	shalt  }
0x47: {  	_ =	shalt  }
0x48: {  	_ =	shalt  }
0x49: {  	_ =	shalt  }
0x4a: {  	_ =	shalt  }
0x4b: {  	_ =	shalt  }
0x4c: {  	_ =	shalt  }
0x4d: {  	_ =	shalt  }
0x4e: {  	_ =	shalt  }
0x4f: {  	_ =	shalt  }
0x50: {  	_ =	shalt  }
0x51: {  	_ =	shalt  }
0x52: {  	_ =	shalt  }
0x53: {  	_ =	shalt  }
0x54: {  	_ =	shalt  }
0x55: {  	_ =	shalt  }
0x56: {  	_ =	shalt  }
0x57: {  	_ =	shalt  }
0x58: {  	_ =	shalt  }
0x59: {  	_ =	shalt  }
0x5a: {  	_ =	shalt  }
0x5b: {  	_ =	shalt  }
0x5c: {  	_ =	shalt  }
0x5d: {  	_ =	shalt  }
0x5e: {  	_ =	shalt  }
0x5f: {  	_ =	shalt  }
0x60: {  	_ =	shalt  }
0x61: {  	_ =	shalt  }
0x62: {  	_ =	shalt  }
0x63: {  	_ =	shalt  }
0x64: {  	_ =	shalt  }
0x65: {  	_ =	shalt  }
0x66: {  	_ =	shalt  }
0x67: {  	_ =	shalt  }
0x68: {  	_ =	shalt  }
0x69: {  	_ =	shalt  }
0x6a: {  	_ =	shalt  }
0x6b: {  	_ =	shalt  }
0x6c: {  	_ =	shalt  }
0x6d: {  	_ =	shalt  }
0x6e: {  	_ =	shalt  }
0x6f: {  	_ =	shalt  }
0x70: {  	_ =	shalt  }
0x71: {  	_ =	shalt  }
0x72: {  	_ =	shalt  }
0x73: {  	_ =	shalt  }
0x74: {  	_ =	shalt  }
0x75: {  	_ =	shalt  }
0x76: {  	_ =	shalt  }
0x77: {  	_ =	shalt  }
0x78: {  	_ =	shalt  }
0x79: {  	_ =	shalt  }
0x7a: {  	_ =	shalt  }
0x7b: {  	_ =	shalt  }
0x7c: {  	_ =	shalt  }
0x7d: {  	_ =	shalt  }
0x7e: {  	_ =	shalt  }
0x7f: {  	_ =	shalt  }
0x80: {  	_ =	shalt  }
0x81: {  	_ =	shalt  }
0x82: {  	_ =	shalt  }
0x83: {  	_ =	shalt  }
0x84: {  	_ =	shalt  }
0x85: {  	_ =	shalt  }
0x86: {  	_ =	shalt  }
0x87: {  	_ =	shalt  }
.Lfunc_end0:
.L_simem_size_0:
called_computation.1_lowered:
.L_overlay_start_0:
0x88: {  	s2 =	sld [smem:$0x3FD9]  }
0x89: {  	s3 =	sld [smem:$0x3FFE];
	_ =	sdelay $0x1  }
0x8a: {  	s1 =	srdreg.scid  }
0x8b: {  	s0 =	sand.u32 $0x1, s1  }
0x8c: {  	s14 =	sshll.u32 s0, $0xA;
	s2 =	sadd.s32 s3, s2  }
0x8d: {  	s2 =	sadd.s32 s2, s14  }
0x8e: {  	[smem:$0x3FC0] =	sst s2  }
0x8f: {  	_ = 	snop  }
0x90: {  	s2 =	sld [smem:$0x3FD0];
	_ =	sdelay $0x2  }
0x91: {  	s15 =	simm.s32 $0xA;
	s4 =	simm.s32 $0x10  }
0x92: {  	[smem:s4], [sflag:s15] =	dma.local [hbm:s2], $0x1  }
0x93: {  	_ =	swait.eq [sflag:s15], $0x1  }
0x94: {  	[sflag:s15] =	ssyncset.done $0x0  }
0x95: {  	s16 =	sld [smem:$0x10];
	[sflag:s15] =	ssyncadd.s32 $0xFFFFFFFF  }
0x96: {  	s17 =	sld [smem:$0x11];
	(tm) =	ssettm $0x1  }
0x97: {  	s18 =	sld [smem:$0x3FFB];
	_ =	sdelay $0x3  }
0x98: {  	_ =	strace s18  }
0x99: {  	s4 =	sld [smem:$0x3FFC];
	_ =	sdelay $0x3  }
0x9a: {  	_ =	strace s4  }
0x9b: {  	s4 =	sld [smem:$0x3FFD];
	_ =	sdelay $0x3  }
0x9c: {  	_ =	strace s4  }
0x9d: {  	_ =	strace $0x8FFFFFFF  }
0x9e: {  	s19 =	sld [smem:$0x3FDB];
	_ =	sdelay $0x1  }
0x9f: {  	s5 =	simm.s32 $_scs_section_size  }
0xa0: {  	s6 =	simm.s32 $_size__tile_overlayer_lowered;
	s7 =	simm.s32 $_tile_overlayer_lowered  }
0xa1: {  	s22 =	simm.s32 $0x1BFF;
	s21 =	sshll.u32 s7, $0x1;
	s4 =	sadd.s32 s5, s19  }
0xa2: {  	s8 =	simm.s32 $0x0;
	s20 =	sshll.u32 s6, $0x1;
	s6 =	sadd.s32 s21, s4  }
0xa3: {  	[timem:s8], [sflag:s22] =	dma.local [hbm:s6], s20  }
0xa4: {  	_ =	swait.ge [sflag:s22], s20  }
0xa5: {  	s5 =	ssub.s32 $0x0, s20;
	[sflag:s22] =	ssyncset.done $0x0  }
0xa6: {  	[sflag:s22] =	ssyncadd.s32 s5;
	_ =	sdelay $0x1  }
0xa7: {  	s23 =	simm.s32 $0x1B8B  }
0xa8: {  	_ =	swait.ge [sflag:s23], $0x1  }
0xa9: {  	[sflag:s23] =	ssyncset.done $0x0  }
0xaa: {  	s25 =	simm.s32 $0x1B8E;
	s24 =	sld [smem:$0x3FFE];
	[sflag:s23] =	ssyncadd.s32 $0xFFFFFFFF  }
0xab: {  	s26 =	simm.s32 $execute0_lowered;
	[smem:$0x3FD2] =	sst s25  }
0xac: {  	s6 =	sshll.u32 s26, $0x1;
	_ =	strace $0x80000049;
	[dreg:$0x1] =	wrdreg $0xFFFFFFFF  }
0xad: {  	s28 =	simm.s32 $_size_execute0_lowered;
	s4 =	sadd.s32 s4, s6;
	[dreg:$0x0] =	wrdreg $0x0  }
0xae: {  	s6 =	sshll.u32 s28, $0x1;
	[dreg:$0x2] =	wrdreg s4  }
0xaf: {  	[dreg:$0x3] =	wrdreg s6  }
0xb0: {  	[dreg:$0x4] =	wrdreg $0xC0  }
0xb1: {  	_ =	task [dreg:s8], $0x5FFFF  }
0xb2: {  	[dreg:$0x1] =	wrdreg $0xFFFFFFFF  }
0xb3: {  	[dreg:$0x0] =	wrdreg $0x60  }
0xb4: {  	[dreg:$0x2] =	wrdreg s17  }
0xb5: {  	[dreg:$0x3] =	wrdreg s24  }
0xb6: {  	[dreg:$0x4] =	wrdreg s16  }
0xb7: {  	[dreg:$0x5] =	wrdreg $0x100400  }
0xb8: {  	[dreg:$0x6] =	wrdreg $0x9  }
0xb9: {  	_ =	task.clear_ibuf [dreg:s8], $0x7FFFF;
	_ =	strace $0x90000049  }
0xba: {  	s29 =	simm.s32 $0x9;
	_ =	strace $0x8000004B  }
0xbb: {  	_ =	swait.ge [sflag:s29], $0x1  }
0xbc: {  	[sflag:s29] =	ssyncadd.s32 $0xFFFFFFFF  }
0xbd: {  	_ =	strace $0x9000004B  }
0xbe: {  	_ =	sfence  }
0xbf: {  	s30 =	sld [smem:$0x0];
	_ =	sdelay $0x2  }
0xc0: {  	s31 =	sshll.u32 s1, $0xD;
	s1 =	sshrl.u32 s1, $0x2  }
0xc1: {  	s3 =	sand.u32 $0x4000, s31;
	s1 =	sadd.s32 s1, s30  }
0xc2: {  	s0 =	sor.u32 s3, s0;
	s1 =	sshll.u32 s1, $0x11  }
0xc3: {  	s0 =	sor.u32 s1, s0  }
0xc4: {  	s0 =	sadd.s32 $0x8F2B, s0  }
0xc5: {  	[sflag:s0] =	ssyncadd.remote.s32 $0x1  }
0xc6: {  	_ =	sfence.sel $0xFFFF  }
0xc7: {  	[dreg:$0x0] =	wrdreg $0xFFFFFFFF;
	(pc) =	sbr.abs _section_cstart, $3  }
0xc8: {  	[dreg:$0x1] =	wrdreg $0xFFFFFFFF  }
0xc9: {  	_ =	task.clear_ibuf [dreg:s8], $0x2FFFF;
	_ =	strace $0x9FFFFFFF  }
0xca: {  	(tm) =	ssettm $0x7FFFFFFF  }
0xcb: {  	_ =	shalt  }
tec
execute0_lowered:
.L_overlay_start_1:
0x0: {  	(tag) =	ssettag $0x1  }
0x1: {  	s0 =	rddreg [dreg:$0x0]  }
0x2: {  	s1 =	rddreg [dreg:$0x1];
	s2 =	srdreg.scid  }
0x3: {  	s4 =	stileid.u32;
	s6 =	rddreg [dreg:$0x2]  }
0x4: {  	s3 =	simm.s32 $0x0;
	s15 =	simm.s32 $0x4E20;
	s16 =	simm.s32 $0x50  }
0x5: {  	s17 =	simm.s32 $0x9C40;
	s18 =	simm.s32 $0xB040;
	s29 =	simm.s32 $0x2  }
0x6: {  	s31 =	simm.s32 $0x7;
	s19 =	simm.s32 $0x3;
	s30 =	simm.s32 $0x4  }
0x7: {  	s5 =	sand.u32 $0x1, s2;
	s7 =	smul.u32 $0x4E20, s4;
	s2 =	rddreg [dreg:$0x3]  }
0x8: {  	s28 =	simm.s32 $0xA;
	[smem:$0x7FF] =	sst s3;
	s9 =	smul.u32 $0x9C00, s4  }
0x9: {  	s21 =	sshll.u32 s4, $0x6;
	p0 =	sne.s32 s4, $0x0;
	s4 =	simm.s32 $0x0  }
0xa: {  	s8 =	smul.u32 $0x4E200, s5;
	_ =	strace $0x8000004A;
	s10 =	ssub.s32 $0x2, s5  }
0xb: {  	s22 =	smul.u32 $0x9C400, s5;
	s5 =	sor.u32 $0x1C0B, s21;
	s14 =	sadd.s32 $0x9C000, s2  }
0xc: {  	s21 =	simm.s32 $0x9;
	s11 =	sshrl.u32 s9, $0x3;
	s12 =	sshrl.u32 s10, $0x1  }
0xd: {  	s13 =	sadd.s32 s9, s2;
	s14 =	sshrl.u32 @!p0 s14, $0x3;
	s8 =	sadd.s32 s7, s8  }
0xe: {  	s7 =	sshrl.u32 s7, $0x3;
	s11 =	sadd.s32 s11, s1;
	s12 =	ssub.s32 s10, s12  }
0xf: {  	s24 =	sadd.s32 s9, s22;
	s25 =	sshrl.u32 s22, $0x3;
	s22 =	simm.s32 $0xD840  }
0x10: {  	s8 =	sshrl.u32 s8, $0x3;
	s7 =	sadd.s32 s7, s1;
	s20 =	sadd.s32 $0x6D600, s11  }
0x11: {  	s26 =	sadd.s32 s6, s25;
	s11 =	smax.u32 s12, $0x1;
	s12 =	sshrl.u32 s13, $0x3  }
0x12: {  	s13 =	simm.s32 $0xB;
	s25 =	simm.s32 $0x1;
	s8 =	sadd.s32 s8, s1  }
0x13: {  	[dreg:$0x5] =	wrdreg s20;
	s1 =	sadd.s32 $0x80E00, s1;
	s7 =	sadd.s32 $0x1600, s7  }
0x14: {  	s10 =	sadd.s32 $0x13800, s26;
	s20 =	simm.s32 $0xC440;
	[dreg:$0x6] =	wrdreg s1  }
0x15: {  	s26 =	simm.s32 $0x6;
	s23 =	sadd.s32 $0xBA00, s8;
	[dreg:$0x8] =	wrdreg s7  }
0x16: {  	s1 =	sshrl.u32 s24, $0x3;
	s24 =	simm.s32 $0xEC40;
	[dreg:$0x7] =	wrdreg s23  }
0x17: {  	s9 =	sadd.s32 s6, s1;
	s23 =	simm.s32 $0x8;
	s1 =	simm.s32 $0x5  }
.LBB2_1:
0x18: {  	s6 =	rddreg [dreg:$0x5]  }
0x19: {  	[spmem:s12], [sflag:s5] =	dma.local [hbm:s6], $0x1380  }
0x1a: {  	_ =	swait.ge [sflag:s13], $0x1380  }
0x1b: {  	[sflag:s13] =	ssyncset.done $0x0  }
0x1c: {  	s6 =	rddreg [dreg:$0x6];
	[sflag:s13] =	ssyncadd.s32 $0xFFFFEC80  }
0x1d: {  	[spmem:s14], [sflag:s5] =	dma.local @!p0 [hbm:s6], $0x80  }
0x1e: {  	s6 =	simm.s32 @!p0 $0xB  }
0x1f: {  	_ =	swait.ge @!p0 [sflag:s6], $0x80  }
0x20: {  	[sflag:s6] =	ssyncset.done @!p0 $0x0  }
0x21: {  	s8 =	rddreg [dreg:$0x7];
	[sflag:s6] =	ssyncadd.s32 @!p0 $0xFFFFFF80  }
0x22: {  	[tilespmem:s3], [sflag:$0xB] =	stream.linear.gather [hbm4b:s8+s3], $0x4E20, $0x38;
	[tilespmem:$0x19C80] =	vst v63  }
0x23: {  	_ =	swait.ge [sflag:s13], $0x4E20  }
0x24: {  	[sflag:s13] =	ssyncset.done $0x0  }
0x25: {  	s7 =	rddreg [dreg:$0x8];
	[sflag:s13] =	ssyncadd.s32 $0xFFFFB1E0  }
0x26: {  	[tilespmem:s15], [sflag:$0xB] =	stream.linear.gather [hbm4b:s7+s3], $0x4E20, $0x38;
	[tilespmem:$0x19C80] =	vst v63  }
0x27: {  	_ =	swait.ge [sflag:s13], $0x4E20  }
0x28: {  	[sflag:s13] =	ssyncset.done $0x0  }
0x29: {  	[sflag:s13] =	ssyncadd.s32 $0xFFFFB1E0  }
0x2a: {  	[bflag:$0x0] =	sbarrier.arrive $0xFFFF  }
0x2b: {  	[tilespmem:s17], [sflag:$0x1] =	stream.indirect.gather [hbm4b:s0+s16], $0x40, s3, s16, $0xb8;
	[tilespmem:$0x19C80] =	vst v63  }
0x2c: {  	_ = 	snop  }
0x2d: {  	[tilespmem:s18], [sflag:$0x2] =	stream.indirect.gather [hbm4b:s0+s16], $0x40, s16, s16, $0xb8;
	[tilespmem:$0x19C80] =	vst v63  }
0x2e: {  	s8 =	simm.s32 $0xA0  }
0x2f: {  	[tilespmem:s20], [sflag:$0x3] =	stream.indirect.gather [hbm4b:s0+s16], $0x40, s8, s16, $0xb8;
	[tilespmem:$0x19C80] =	vst v63  }
0x30: {  	s7 =	simm.s32 $0xF0  }
0x31: {  	[tilespmem:s22], [sflag:$0x4] =	stream.indirect.gather [hbm4b:s0+s16], $0x40, s7, s16, $0xb8;
	[tilespmem:$0x19C80] =	vst v63  }
0x32: {  	s8 =	simm.s32 $0x140  }
0x33: {  	[tilespmem:s24], [sflag:$0x5] =	stream.indirect.gather [hbm4b:s0+s16], $0x40, s8, s16, $0xb8;
	[tilespmem:$0x19C80] =	vst v63  }
0x34: {  	_ =	swait.ge [sflag:s25], $0x1400  }
0x35: {  	[sflag:s25] =	ssyncset.done $0x0  }
0x36: {  	[sflag:s25] =	ssyncadd.s32 $0xFFFFEC00  }
0x37: {  	[spmem:s2] =	stream.indirect.scatter.add.f32 [tilespmem:s17], [sflag:$0x6], $0x40, s15, s16, $0xb8;
	[tilespmem:$0x19C80] =	vst v63  }
0x38: {  	_ =	swait.ge [sflag:s26], $0x1400  }
0x39: {  	[sflag:s26] =	ssyncset.done $0x0  }
0x3a: {  	s7 =	simm.s32 $0x190;
	[sflag:s26] =	ssyncadd.s32 $0xFFFFEC00  }
0x3b: {  	[tilespmem:s17], [sflag:$0x1] =	stream.indirect.gather [hbm4b:s0+s16], $0x40, s7, s16, $0xb8;
	[tilespmem:$0x19C80] =	vst v63  }
0x3c: {  	_ =	swait.ge [sflag:s29], $0x1400  }
0x3d: {  	[sflag:s29] =	ssyncset.done $0x0  }
0x3e: {  	s8 =	simm.s32 $0x4E70;
	[sflag:s29] =	ssyncadd.s32 $0xFFFFEC00  }
0x3f: {  	[spmem:s2] =	stream.indirect.scatter.add.f32 [tilespmem:s18], [sflag:$0x7], $0x40, s8, s16, $0xb8;
	[tilespmem:$0x19C80] =	vst v63  }
0x40: {  	_ =	swait.ge [sflag:s31], $0x1400  }
0x41: {  	[sflag:s31] =	ssyncset.done $0x0  }
0x42: {  	s7 =	simm.s32 $0x1E0;
	[sflag:s31] =	ssyncadd.s32 $0xFFFFEC00  }
0x43: {  	[tilespmem:s18], [sflag:$0x2] =	stream.indirect.gather [hbm4b:s0+s16], $0x40, s7, s16, $0xb8;
	[tilespmem:$0x19C80] =	vst v63  }
0x44: {  	_ =	swait.ge [sflag:s19], $0x1400  }
0x45: {  	[sflag:s19] =	ssyncset.done $0x0  }
0x46: {  	s8 =	simm.s32 $0x4EC0;
	[sflag:s19] =	ssyncadd.s32 $0xFFFFEC00  }
0x47: {  	[spmem:s2] =	stream.indirect.scatter.add.f32 [tilespmem:s20], [sflag:$0x8], $0x40, s8, s16, $0xb8;
	[tilespmem:$0x19C80] =	vst v63  }
0x48: {  	_ =	swait.ge [sflag:s23], $0x1400  }
0x49: {  	[sflag:s23] =	ssyncset.done $0x0  }
0x4a: {  	s7 =	simm.s32 $0x230;
	[sflag:s23] =	ssyncadd.s32 $0xFFFFEC00  }
0x4b: {  	[tilespmem:s20], [sflag:$0x3] =	stream.indirect.gather [hbm4b:s0+s16], $0x40, s7, s16, $0xb8;
	[tilespmem:$0x19C80] =	vst v63  }
0x4c: {  	_ =	swait.ge [sflag:s30], $0x1400  }
0x4d: {  	[sflag:s30] =	ssyncset.done $0x0  }
0x4e: {  	s8 =	simm.s32 $0x4F10;
	[sflag:s30] =	ssyncadd.s32 $0xFFFFEC00  }
0x4f: {  	[spmem:s2] =	stream.indirect.scatter.add.f32 [tilespmem:s22], [sflag:$0x9], $0x40, s8, s16, $0xb8;
	[tilespmem:$0x19C80] =	vst v63  }
0x50: {  	_ =	swait.ge [sflag:s21], $0x1400  }
0x51: {  	[sflag:s21] =	ssyncset.done $0x0  }
0x52: {  	s7 =	simm.s32 $0x280;
	[sflag:s21] =	ssyncadd.s32 $0xFFFFEC00  }
0x53: {  	[tilespmem:s22], [sflag:$0x4] =	stream.indirect.gather [hbm4b:s0+s16], $0x40, s7, s16, $0xb8;
	[tilespmem:$0x19C80] =	vst v63  }
0x54: {  	_ =	swait.ge [sflag:s1], $0x1400  }
0x55: {  	[sflag:s1] =	ssyncset.done $0x0  }
0x56: {  	s8 =	simm.s32 $0x4F60;
	[sflag:s1] =	ssyncadd.s32 $0xFFFFEC00  }
0x57: {  	[spmem:s2] =	stream.indirect.scatter.add.f32 [tilespmem:s24], [sflag:$0xA], $0x40, s8, s16, $0xb8;
	[tilespmem:$0x19C80] =	vst v63  }
0x58: {  	_ =	swait.ge [sflag:s28], $0x1400  }
0x59: {  	[sflag:s28] =	ssyncset.done $0x0  }
0x5a: {  	s7 =	simm.s32 $0x2D0;
	[sflag:s28] =	ssyncadd.s32 $0xFFFFEC00  }
0x5b: {  	[tilespmem:s24], [sflag:$0x5] =	stream.indirect.gather [hbm4b:s0+s16], $0x40, s7, s16, $0xb8;
	[tilespmem:$0x19C80] =	vst v63  }
0x5c: {  	_ =	swait.ge [sflag:s25], $0x1400  }
0x5d: {  	[sflag:s25] =	ssyncset.done $0x0  }
0x5e: {  	s8 =	simm.s32 $0x4FB0;
	[sflag:s25] =	ssyncadd.s32 $0xFFFFEC00  }
0x5f: {  	[spmem:s2] =	stream.indirect.scatter.add.f32 [tilespmem:s17], [sflag:$0x6], $0x40, s8, s16, $0xb8;
	[tilespmem:$0x19C80] =	vst v63  }
0x60: {  	_ =	swait.ge [sflag:s26], $0x1400  }
0x61: {  	[sflag:s26] =	ssyncset.done $0x0  }
0x62: {  	s7 =	simm.s32 $0x320;
	[sflag:s26] =	ssyncadd.s32 $0xFFFFEC00  }
0x63: {  	[tilespmem:s17], [sflag:$0x1] =	stream.indirect.gather [hbm4b:s0+s16], $0x40, s7, s16, $0xb8;
	[tilespmem:$0x19C80] =	vst v63  }
0x64: {  	_ =	swait.ge [sflag:s29], $0x1400  }
0x65: {  	[sflag:s29] =	ssyncset.done $0x0  }
0x66: {  	s8 =	simm.s32 $0x5000;
	[sflag:s29] =	ssyncadd.s32 $0xFFFFEC00  }
0x67: {  	[spmem:s2] =	stream.indirect.scatter.add.f32 [tilespmem:s18], [sflag:$0x7], $0x40, s8, s16, $0xb8;
	[tilespmem:$0x19C80] =	vst v63  }
0x68: {  	_ =	swait.ge [sflag:s31], $0x1400  }
0x69: {  	[sflag:s31] =	ssyncset.done $0x0  }
0x6a: {  	s7 =	simm.s32 $0x370;
	[sflag:s31] =	ssyncadd.s32 $0xFFFFEC00  }
0x6b: {  	[tilespmem:s18], [sflag:$0x2] =	stream.indirect.gather [hbm4b:s0+s16], $0x40, s7, s16, $0xb8;
	[tilespmem:$0x19C80] =	vst v63  }
0x6c: {  	_ =	swait.ge [sflag:s19], $0x1400  }
0x6d: {  	[sflag:s19] =	ssyncset.done $0x0  }
0x6e: {  	s8 =	simm.s32 $0x5050;
	[sflag:s19] =	ssyncadd.s32 $0xFFFFEC00  }
0x6f: {  	[spmem:s2] =	stream.indirect.scatter.add.f32 [tilespmem:s20], [sflag:$0x8], $0x40, s8, s16, $0xb8;
	[tilespmem:$0x19C80] =	vst v63  }
0x70: {  	_ =	swait.ge [sflag:s23], $0x1400  }
0x71: {  	[sflag:s23] =	ssyncset.done $0x0  }
0x72: {  	s7 =	simm.s32 $0x3C0;
	[sflag:s23] =	ssyncadd.s32 $0xFFFFEC00  }
0x73: {  	[tilespmem:s20], [sflag:$0x3] =	stream.indirect.gather [hbm4b:s0+s16], $0x40, s7, s16, $0xb8;
	[tilespmem:$0x19C80] =	vst v63  }
0x74: {  	_ =	swait.ge [sflag:s30], $0x1400  }
0x75: {  	[sflag:s30] =	ssyncset.done $0x0  }
0x76: {  	s8 =	simm.s32 $0x50A0;
	[sflag:s30] =	ssyncadd.s32 $0xFFFFEC00  }
0x77: {  	[spmem:s2] =	stream.indirect.scatter.add.f32 [tilespmem:s22], [sflag:$0x9], $0x40, s8, s16, $0xb8;
	[tilespmem:$0x19C80] =	vst v63  }
0x78: {  	_ =	swait.ge [sflag:s21], $0x1400  }
0x79: {  	[sflag:s21] =	ssyncset.done $0x0  }
0x7a: {  	s7 =	simm.s32 $0x410;
	[sflag:s21] =	ssyncadd.s32 $0xFFFFEC00  }
0x7b: {  	[tilespmem:s22], [sflag:$0x4] =	stream.indirect.gather [hbm4b:s0+s16], $0x40, s7, s16, $0xb8;
	[tilespmem:$0x19C80] =	vst v63  }
0x7c: {  	_ =	swait.ge [sflag:s1], $0x1400  }
0x7d: {  	[sflag:s1] =	ssyncset.done $0x0  }
0x7e: {  	s8 =	simm.s32 $0x50F0;
	[sflag:s1] =	ssyncadd.s32 $0xFFFFEC00  }
0x7f: {  	[spmem:s2] =	stream.indirect.scatter.add.f32 [tilespmem:s24], [sflag:$0xA], $0x40, s8, s16, $0xb8;
	[tilespmem:$0x19C80] =	vst v63  }
0x80: {  	_ =	swait.ge [sflag:s28], $0x1400  }
0x81: {  	[sflag:s28] =	ssyncset.done $0x0  }
0x82: {  	s6 =	simm.s32 $0x640;
	s7 =	simm.s32 $0x460;
	[sflag:s28] =	ssyncadd.s32 $0xFFFFEC00  }
.LBB2_2:
0x83: {  	[tilespmem:s24], [sflag:$0x5] =	stream.indirect.gather [hbm4b:s0+s16], $0x40, s7, s16, $0xb8;
	[tilespmem:$0x19C80] =	vst v63  }
0x84: {  	s7 =	smov.u32 s6  }
0x85: {  	p1 =	sne.s32 s6, $0x125C0;
	s6 =	sadd.s32 $0x640, s6;
	_ =	swait.ge [sflag:s25], $0x1400  }
0x86: {  	s7 =	sshra.s32 s7, $0x2;
	[sflag:s25] =	ssyncset.done $0x0  }
0x87: {  	s8 =	sadd.s32 $0x4FB0, s7;
	[sflag:s25] =	ssyncadd.s32 $0xFFFFEC00  }
0x88: {  	[spmem:s2] =	stream.indirect.scatter.add.f32 [tilespmem:s17], [sflag:$0x6], $0x40, s8, s16, $0xb8;
	[tilespmem:$0x19C80] =	vst v63  }
0x89: {  	_ =	swait.ge [sflag:s26], $0x1400  }
0x8a: {  	[sflag:s26] =	ssyncset.done $0x0  }
0x8b: {  	s8 =	sadd.s32 $0x320, s7;
	[sflag:s26] =	ssyncadd.s32 $0xFFFFEC00  }
0x8c: {  	[tilespmem:s17], [sflag:$0x1] =	stream.indirect.gather [hbm4b:s0+s16], $0x40, s8, s16, $0xb8;
	[tilespmem:$0x19C80] =	vst v63  }
0x8d: {  	_ =	swait.ge [sflag:s29], $0x1400  }
0x8e: {  	[sflag:s29] =	ssyncset.done $0x0  }
0x8f: {  	s8 =	sadd.s32 $0x5000, s7;
	[sflag:s29] =	ssyncadd.s32 $0xFFFFEC00  }
0x90: {  	[spmem:s2] =	stream.indirect.scatter.add.f32 [tilespmem:s18], [sflag:$0x7], $0x40, s8, s16, $0xb8;
	[tilespmem:$0x19C80] =	vst v63  }
0x91: {  	_ =	swait.ge [sflag:s31], $0x1400  }
0x92: {  	[sflag:s31] =	ssyncset.done $0x0  }
0x93: {  	s8 =	sadd.s32 $0x370, s7;
	[sflag:s31] =	ssyncadd.s32 $0xFFFFEC00  }
0x94: {  	[tilespmem:s18], [sflag:$0x2] =	stream.indirect.gather [hbm4b:s0+s16], $0x40, s8, s16, $0xb8;
	[tilespmem:$0x19C80] =	vst v63  }
0x95: {  	_ =	swait.ge [sflag:s19], $0x1400  }
0x96: {  	[sflag:s19] =	ssyncset.done $0x0  }
0x97: {  	s8 =	sadd.s32 $0x5050, s7;
	[sflag:s19] =	ssyncadd.s32 $0xFFFFEC00  }
0x98: {  	[spmem:s2] =	stream.indirect.scatter.add.f32 [tilespmem:s20], [sflag:$0x8], $0x40, s8, s16, $0xb8;
	[tilespmem:$0x19C80] =	vst v63  }
0x99: {  	_ =	swait.ge [sflag:s23], $0x1400  }
0x9a: {  	[sflag:s23] =	ssyncset.done $0x0  }
0x9b: {  	s8 =	sadd.s32 $0x3C0, s7;
	[sflag:s23] =	ssyncadd.s32 $0xFFFFEC00  }
0x9c: {  	[tilespmem:s20], [sflag:$0x3] =	stream.indirect.gather [hbm4b:s0+s16], $0x40, s8, s16, $0xb8;
	[tilespmem:$0x19C80] =	vst v63  }
0x9d: {  	_ =	swait.ge [sflag:s30], $0x1400  }
0x9e: {  	[sflag:s30] =	ssyncset.done $0x0  }
0x9f: {  	s8 =	sadd.s32 $0x50A0, s7;
	[sflag:s30] =	ssyncadd.s32 $0xFFFFEC00  }
0xa0: {  	[spmem:s2] =	stream.indirect.scatter.add.f32 [tilespmem:s22], [sflag:$0x9], $0x40, s8, s16, $0xb8;
	[tilespmem:$0x19C80] =	vst v63  }
0xa1: {  	_ =	swait.ge [sflag:s21], $0x1400  }
0xa2: {  	[sflag:s21] =	ssyncset.done $0x0  }
0xa3: {  	s8 =	sadd.s32 $0x410, s7;
	[sflag:s21] =	ssyncadd.s32 $0xFFFFEC00  }
0xa4: {  	[tilespmem:s22], [sflag:$0x4] =	stream.indirect.gather [hbm4b:s0+s16], $0x40, s8, s16, $0xb8;
	[tilespmem:$0x19C80] =	vst v63  }
0xa5: {  	_ =	swait.ge [sflag:s1], $0x1400  }
0xa6: {  	[sflag:s1] =	ssyncset.done $0x0  }
.Ltmp0:
0xa7: {  	s8 =	sadd.s32 $0x50F0, s7;
	[sflag:s1] =	ssyncadd.s32 $0xFFFFEC00;
	(pc) =	sbr.rel @p1 .LBB2_2-.Ltmp0, $4  }
0xa8: {  	[spmem:s2] =	stream.indirect.scatter.add.f32 [tilespmem:s24], [sflag:$0xA], $0x40, s8, s16, $0xb8;
	[tilespmem:$0x19C80] =	vst v63  }
0xa9: {  	_ =	swait.ge [sflag:s28], $0x1400  }
0xaa: {  	[sflag:s28] =	ssyncset.done $0x0  }
0xab: {  	s7 =	sadd.s32 $0x460, s7;
	[sflag:s28] =	ssyncadd.s32 $0xFFFFEC00  }
0xac: {  	[tilespmem:s24], [sflag:$0x5] =	stream.indirect.gather [hbm4b:s0+s16], $0x40, s7, s16, $0xb8;
	[tilespmem:$0x19C80] =	vst v63  }
0xad: {  	_ =	swait.ge [sflag:s25], $0x1400  }
0xae: {  	[sflag:s25] =	ssyncset.done $0x0  }
0xaf: {  	s6 =	simm.s32 $0x9AB0;
	[sflag:s25] =	ssyncadd.s32 $0xFFFFEC00  }
0xb0: {  	[spmem:s2] =	stream.indirect.scatter.add.f32 [tilespmem:s17], [sflag:$0x6], $0x40, s6, s16, $0xb8;
	[tilespmem:$0x19C80] =	vst v63  }
0xb1: {  	_ =	swait.ge [sflag:s26], $0x1400  }
0xb2: {  	[sflag:s26] =	ssyncset.done $0x0  }
0xb3: {  	[sflag:s26] =	ssyncadd.s32 $0xFFFFEC00  }
0xb4: {  	_ =	swait.ge [sflag:s29], $0x1400  }
0xb5: {  	[sflag:s29] =	ssyncset.done $0x0  }
0xb6: {  	s7 =	simm.s32 $0x9B00;
	[sflag:s29] =	ssyncadd.s32 $0xFFFFEC00  }
0xb7: {  	[spmem:s2] =	stream.indirect.scatter.add.f32 [tilespmem:s18], [sflag:$0x7], $0x40, s7, s16, $0xb8;
	[tilespmem:$0x19C80] =	vst v63  }
0xb8: {  	_ =	swait.ge [sflag:s31], $0x1400  }
0xb9: {  	[sflag:s31] =	ssyncset.done $0x0  }
0xba: {  	[sflag:s31] =	ssyncadd.s32 $0xFFFFEC00  }
0xbb: {  	_ =	swait.ge [sflag:s19], $0x1400  }
0xbc: {  	[sflag:s19] =	ssyncset.done $0x0  }
0xbd: {  	s8 =	simm.s32 $0x9B50;
	[sflag:s19] =	ssyncadd.s32 $0xFFFFEC00  }
0xbe: {  	[spmem:s2] =	stream.indirect.scatter.add.f32 [tilespmem:s20], [sflag:$0x8], $0x40, s8, s16, $0xb8;
	[tilespmem:$0x19C80] =	vst v63  }
0xbf: {  	_ =	swait.ge [sflag:s23], $0x1400  }
0xc0: {  	[sflag:s23] =	ssyncset.done $0x0  }
0xc1: {  	[sflag:s23] =	ssyncadd.s32 $0xFFFFEC00  }
0xc2: {  	_ =	swait.ge [sflag:s30], $0x1400  }
0xc3: {  	[sflag:s30] =	ssyncset.done $0x0  }
0xc4: {  	s7 =	simm.s32 $0x9BA0;
	[sflag:s30] =	ssyncadd.s32 $0xFFFFEC00  }
0xc5: {  	[spmem:s2] =	stream.indirect.scatter.add.f32 [tilespmem:s22], [sflag:$0x9], $0x40, s7, s16, $0xb8;
	[tilespmem:$0x19C80] =	vst v63  }
0xc6: {  	_ =	swait.ge [sflag:s21], $0x1400  }
0xc7: {  	[sflag:s21] =	ssyncset.done $0x0  }
0xc8: {  	[sflag:s21] =	ssyncadd.s32 $0xFFFFEC00  }
0xc9: {  	_ =	swait.ge [sflag:s1], $0x1400  }
0xca: {  	[sflag:s1] =	ssyncset.done $0x0  }
0xcb: {  	s8 =	simm.s32 $0x9BF0;
	[sflag:s1] =	ssyncadd.s32 $0xFFFFEC00  }
0xcc: {  	[spmem:s2] =	stream.indirect.scatter.add.f32 [tilespmem:s24], [sflag:$0xA], $0x40, s8, s16, $0xb8;
	[tilespmem:$0x19C80] =	vst v63  }
0xcd: {  	_ =	swait.ge [sflag:s28], $0x1400  }
0xce: {  	[sflag:s28] =	ssyncset.done $0x0  }
0xcf: {  	[sflag:s28] =	ssyncadd.s32 $0xFFFFEC00  }
0xd0: {  	[bflag:$0x0] =	sbarrier.arrive $0xFFFF  }
0xd1: {  	[hbm:s9], [sflag:s5] =	dma.local [spmem:s12], $0x1380  }
0xd2: {  	s4 =	sadd.s32 $0x1, s4;
	_ =	swait.ge [sflag:s13], $0x1380  }
0xd3: {  	p1 =	sne.s32 s4, s11;
	[sflag:s13] =	ssyncset.done $0x0  }
.Ltmp1:
0xd4: {  	s6 =	simm.s32 @!p0 $0xB;
	[sflag:s13] =	ssyncadd.s32 $0xFFFFEC80;
	(pc) =	sbr.rel @p1 .LBB2_1-.Ltmp1, $4  }
0xd5: {  	[hbm:s10], [sflag:s5] =	dma.local @!p0 [spmem:s14], $0x80  }
0xd6: {  	_ =	swait.ge @!p0 [sflag:s6], $0x80  }
0xd7: {  	[sflag:s6] =	ssyncset.done @!p0 $0x0  }
0xd8: {  	[sflag:s6] =	ssyncadd.s32 @!p0 $0xFFFFFF80  }
0xd9: {  	_ =	sfence.sel $0x180000  }
0xda: {  	[bflag:$0x0] =	sbarrier.arrive $0xFFFF  }
0xdb: {  	_ =	strace $0x9000004A  }
0xdc: {  	[bflag:$0x2] =	sbarrier.arrive $0xFFFF  }
0xdd: {  	s0 =	rddreg [dreg:$0x4]  }
0xde: {  	s0 =	sadd.s32 @!p0 $0x100000, s0  }
0xdf: {  	[sflag:s0] =	ssyncadd.tile.s32 @!p0 $0x1;
	_ =	shalt  }
.Lfunc_end2:
_tile_overlayer_lowered:
.L_overlay_start_2:
0xe0: {  	(tag) =	ssettag $0x2  }
0xe1: {  	s0 =	rddreg [dreg:$0x0];
	s2 =	stileid.u32  }
0xe2: {  	s1 =	rddreg [dreg:$0x1];
	p0 =	sne.s32 s2, $0x0  }
0xe3: {  	s3 =	rddreg [dreg:$0x2];
	[bflag:$0x3] =	sbarrier.arrive $0xFFFF;
	s2 =	simm.s32 @!p0 $0x1C0B  }
0xe4: {  	[timem:s3], [sflag:s2] =	dma.local @!p0 [hbm:s0], s1  }
0xe5: {  	s0 =	simm.s32 @!p0 $0xB  }
0xe6: {  	_ =	swait.ge @!p0 [sflag:s0], s1  }
0xe7: {  	s1 =	ssub.s32 @!p0 $0x0, s1;
	[sflag:s0] =	ssyncset.done @!p0 $0x0  }
0xe8: {  	[sflag:s0] =	ssyncadd.s32 @!p0 s1  }
0xe9: {  	[bflag:$0x3] =	sbarrier.arrive $0xFFFF  }
0xea: {  	_ =	shalt  }

// kernel: kernel.7.cloned.1.call-start
scs
__scs_entry_jumppad:
0x0: {  	(pc) =	sbr.rel $0x88, $3  }
0x1: {  	(tag) =	ssettag $0x0;
	lr =	simm.s32 $0x1  }
0x2: {  	[smem:$0x3F99] =	sst lr;
	_ =	strace $0xD0000000  }
0x3: {  	_ = 	snop  }
0x4: {  	_ = 	snop  }
0x5: {  	_ = 	snop  }
0x6: {  	_ = 	snop  }
0x7: {  	_ = 	snop  }
__scs_overlays_trampoline_lowered:
0x8: {  	[smem:$0x3FA8] =	sst s0  }
0x9: {  	[smem:$0x3FA9] =	sst s1  }
0xa: {  	[smem:$0x3FAA] =	sst s2  }
0xb: {  	[smem:$0x3FAB] =	sst s3  }
0xc: {  	[smem:$0x3FAC] =	sst s4  }
0xd: {  	[smem:$0x3FAD] =	sst s5  }
0xe: {  	[smem:$0x3FAE] =	sst s6  }
0xf: {  	[smem:$0x3FAF] =	sst s7  }
0x10: {  	[smem:$0x3FB0] =	sst s8  }
0x11: {  	[smem:$0x3FB1] =	sst s9;
	s0 =	simm.s32 @!p0 $0x0  }
0x12: {  	s1 =	sld [smem:$0x3F97];
	s0 =	simm.s32 @p0 $0x1  }
0x13: {  	[smem:$0x3FB2] =	sst s0;
	s0 =	simm.s32 @!p1 $0x0  }
0x14: {  	s2 =	sld [smem:$0x3F96];
	s0 =	simm.s32 @p1 $0x1  }
0x15: {  	[smem:$0x3FB3] =	sst s0;
	s0 =	simm.s32 @!p2 $0x0  }
0x16: {  	s3 =	sld [smem:$0x3FDB];
	s0 =	simm.s32 @p2 $0x1  }
0x17: {  	s4 =	simm.s32 $0x1BF5;
	[smem:$0x3FB5] =	sst s0  }
0x18: {  	s0 =	sld [smem:$0x3F98];
	_ =	swait.ge [sflag:s4], $0x0  }
0x19: {  	s7 =	sld [smem:$0x3F99]  }
0x1a: {  	s8 =	sadd.s32 $0xFFFFE003, lr  }
0x1b: {  	s9 =	sadd.s32 $0xFFFFFEF7, lr;
	s5 =	simm.s32 $0xFFFFFFFF;
	p2 =	slt.u32 s8, $0xFFFFF086  }
0x1c: {  	p1 =	slt.u32 s9, $0xF7A;
	s5 =	simm.s32 @!p2 $0x0  }
0x1d: {  	s5 =	simm.s32 @p1 $0x1;
	p0 =	seq.s32 s7, s2  }
0x1e: {  	s7 =	smul.u32 @!p0 $0xF7A, s2;
	p2 =	seq.s32 @!p0 s5, $0x0  }
0x1f: {  	s9 =	smul.u32 $0xF7A, s1;
	s8 =	simm.s32 @!p0 $0x1BF5;
	p2 =	por !p2, p0  }
0x20: {  	[sflag:s8] =	ssyncset.s32 @!p0 $0xFFFFF086;
	s6 =	sadd.s32 @!p0 s3, s7;
	s7 =	simm.s32 @!p0 $0x108  }
0x21: {  	s3 =	sadd.s32 s3, s9;
	s6 =	sadd.s32 @!p0 $0x88, s6;
	s7 =	simm.s32 @p2 $0x1082  }
0x22: {  	[simem:s7], [sflag:s8] =	dma.local @!p0 [hbm:s6], $0xF7A  }
0x23: {  	s9 =	sor.u32 $0xD0000000, s2;
	s6 =	simm.s32 $0x108;
	_ =	swait.ge @!p0 [sflag:s8], $0x0  }
0x24: {  	s3 =	sadd.s32 $0x88, s3;
	s6 =	simm.s32 @!p1 $0x1082;
	[sflag:s4] =	ssyncset.s32 $0xFFFFF086  }
0x25: {  	[simem:s6], [sflag:s4] =	dma.local [hbm:s3], $0xF7A  }
0x26: {  	[smem:$0x3F99] =	sst s1;
	(tag) =	ssettag s2;
	_ =	strace s9  }
0x27: {  	s1 =	sld [smem:$0x3FA9]  }
0x28: {  	s2 =	sld [smem:$0x3FAA]  }
0x29: {  	s4 =	sld [smem:$0x3FAC]  }
0x2a: {  	p0 =	seq.s32 s5, $0x0;
	s5 =	sld [smem:$0x3FAD]  }
0x2b: {  	s6 =	sld [smem:$0x3FAE]  }
0x2c: {  	s7 =	sld [smem:$0x3FAF]  }
0x2d: {  	s3 =	simm.s32 $0x108;
	s8 =	sld [smem:$0x3FB0]  }
0x2e: {  	s3 =	simm.s32 @!p0 $0x1082;
	s9 =	sld [smem:$0x3FB1]  }
0x2f: {  	lr =	sadd.s32 s0, s3;
	s0 =	sld [smem:$0x3FA8]  }
0x30: {  	s3 =	sld [smem:$0x3FAB]  }
0x31: {  	[smem:$0x3FB4] =	sst s10  }
0x32: {  	s10 =	sld [smem:$0x3FB2];
	_ =	sdelay $0x3  }
0x33: {  	p0 =	seq.s32 s10, $0x1;
	s10 =	sld [smem:$0x3FB4];
	_ =	sdelay $0x3  }
0x34: {  	[smem:$0x3FB4] =	sst s10  }
0x35: {  	s10 =	sld [smem:$0x3FB3];
	_ =	sdelay $0x3  }
0x36: {  	p1 =	seq.s32 s10, $0x1;
	s10 =	sld [smem:$0x3FB4];
	_ =	sdelay $0x3  }
0x37: {  	[smem:$0x3FB4] =	sst s10  }
0x38: {  	s10 =	sld [smem:$0x3FB5]  }
0x39: {  	_ = 	snop;
	(pc) =	sbr.ind lr, $3  }
0x3a: {  	_ = 	snop  }
0x3b: {  	_ = 	snop  }
0x3c: {  	p2 =	seq.s32 s10, $0x1;
	s10 =	sld [smem:$0x3FB4]  }
0x3d: {  	_ =	shalt  }
0x3e: {  	_ =	shalt  }
0x3f: {  	_ =	shalt  }
0x40: {  	_ =	shalt  }
0x41: {  	_ =	shalt  }
0x42: {  	_ =	shalt  }
0x43: {  	_ =	shalt  }
0x44: {  	_ =	shalt  }
0x45: {  	_ =	shalt  }
0x46: {  	_ =	shalt  }
0x47: {  	_ =	shalt  }
0x48: {  	_ =	shalt  }
0x49: {  	_ =	shalt  }
0x4a: {  	_ =	shalt  }
0x4b: {  	_ =	shalt  }
0x4c: {  	_ =	shalt  }
0x4d: {  	_ =	shalt  }
0x4e: {  	_ =	shalt  }
0x4f: {  	_ =	shalt  }
0x50: {  	_ =	shalt  }
0x51: {  	_ =	shalt  }
0x52: {  	_ =	shalt  }
0x53: {  	_ =	shalt  }
0x54: {  	_ =	shalt  }
0x55: {  	_ =	shalt  }
0x56: {  	_ =	shalt  }
0x57: {  	_ =	shalt  }
0x58: {  	_ =	shalt  }
0x59: {  	_ =	shalt  }
0x5a: {  	_ =	shalt  }
0x5b: {  	_ =	shalt  }
0x5c: {  	_ =	shalt  }
0x5d: {  	_ =	shalt  }
0x5e: {  	_ =	shalt  }
0x5f: {  	_ =	shalt  }
0x60: {  	_ =	shalt  }
0x61: {  	_ =	shalt  }
0x62: {  	_ =	shalt  }
0x63: {  	_ =	shalt  }
0x64: {  	_ =	shalt  }
0x65: {  	_ =	shalt  }
0x66: {  	_ =	shalt  }
0x67: {  	_ =	shalt  }
0x68: {  	_ =	shalt  }
0x69: {  	_ =	shalt  }
0x6a: {  	_ =	shalt  }
0x6b: {  	_ =	shalt  }
0x6c: {  	_ =	shalt  }
0x6d: {  	_ =	shalt  }
0x6e: {  	_ =	shalt  }
0x6f: {  	_ =	shalt  }
0x70: {  	_ =	shalt  }
0x71: {  	_ =	shalt  }
0x72: {  	_ =	shalt  }
0x73: {  	_ =	shalt  }
0x74: {  	_ =	shalt  }
0x75: {  	_ =	shalt  }
0x76: {  	_ =	shalt  }
0x77: {  	_ =	shalt  }
0x78: {  	_ =	shalt  }
0x79: {  	_ =	shalt  }
0x7a: {  	_ =	shalt  }
0x7b: {  	_ =	shalt  }
0x7c: {  	_ =	shalt  }
0x7d: {  	_ =	shalt  }
0x7e: {  	_ =	shalt  }
0x7f: {  	_ =	shalt  }
0x80: {  	_ =	shalt  }
0x81: {  	_ =	shalt  }
0x82: {  	_ =	shalt  }
0x83: {  	_ =	shalt  }
0x84: {  	_ =	shalt  }
0x85: {  	_ =	shalt  }
0x86: {  	_ =	shalt  }
0x87: {  	_ =	shalt  }
.Lfunc_end0:
.L_simem_size_0:
called_computation_lowered:
.L_overlay_start_0:
0x88: {  	s2 =	sld [smem:$0x3FD9]  }
0x89: {  	s3 =	sld [smem:$0x3FFE];
	_ =	sdelay $0x1  }
0x8a: {  	s1 =	srdreg.scid  }
0x8b: {  	s0 =	sand.u32 $0x1, s1  }
0x8c: {  	s14 =	sshll.u32 s0, $0xA;
	s2 =	sadd.s32 s3, s2  }
0x8d: {  	s2 =	sadd.s32 s2, s14  }
0x8e: {  	[smem:$0x3FC0] =	sst s2  }
0x8f: {  	_ = 	snop  }
0x90: {  	s2 =	sld [smem:$0x3FD0];
	_ =	sdelay $0x2  }
0x91: {  	s15 =	simm.s32 $0xA;
	s4 =	simm.s32 $0x10  }
0x92: {  	[smem:s4], [sflag:s15] =	dma.local [hbm:s2], $0x1  }
0x93: {  	_ =	swait.eq [sflag:s15], $0x1  }
0x94: {  	[sflag:s15] =	ssyncset.done $0x0  }
0x95: {  	s16 =	sld [smem:$0x10];
	[sflag:s15] =	ssyncadd.s32 $0xFFFFFFFF  }
0x96: {  	s17 =	sld [smem:$0x11];
	(tm) =	ssettm $0x1  }
0x97: {  	s18 =	sld [smem:$0x3FFB];
	_ =	sdelay $0x3  }
0x98: {  	_ =	strace s18  }
0x99: {  	s4 =	sld [smem:$0x3FFC];
	_ =	sdelay $0x3  }
0x9a: {  	_ =	strace s4  }
0x9b: {  	s4 =	sld [smem:$0x3FFD];
	_ =	sdelay $0x3  }
0x9c: {  	_ =	strace s4  }
0x9d: {  	_ =	strace $0x8FFFFFFF  }
0x9e: {  	s19 =	sld [smem:$0x3FDB];
	_ =	sdelay $0x1  }
0x9f: {  	s5 =	simm.s32 $_scs_section_size  }
0xa0: {  	s6 =	simm.s32 $_size__tile_overlayer_lowered;
	s7 =	simm.s32 $_tile_overlayer_lowered  }
0xa1: {  	s22 =	simm.s32 $0x1BFF;
	s21 =	sshll.u32 s7, $0x1;
	s4 =	sadd.s32 s5, s19  }
0xa2: {  	s8 =	simm.s32 $0x0;
	s20 =	sshll.u32 s6, $0x1;
	s6 =	sadd.s32 s21, s4  }
0xa3: {  	[timem:s8], [sflag:s22] =	dma.local [hbm:s6], s20  }
0xa4: {  	_ =	swait.ge [sflag:s22], s20  }
0xa5: {  	s5 =	ssub.s32 $0x0, s20;
	[sflag:s22] =	ssyncset.done $0x0  }
0xa6: {  	[sflag:s22] =	ssyncadd.s32 s5;
	_ =	sdelay $0x1  }
0xa7: {  	s23 =	simm.s32 $0x1B8B  }
0xa8: {  	_ =	swait.ge [sflag:s23], $0x1  }
0xa9: {  	[sflag:s23] =	ssyncset.done $0x0  }
0xaa: {  	s25 =	simm.s32 $0x1B8E;
	s24 =	sld [smem:$0x3FFE];
	[sflag:s23] =	ssyncadd.s32 $0xFFFFFFFF  }
0xab: {  	s26 =	simm.s32 $execute0_lowered;
	[smem:$0x3FD2] =	sst s25  }
0xac: {  	s6 =	sshll.u32 s26, $0x1;
	_ =	strace $0x80000046;
	[dreg:$0x1] =	wrdreg $0xFFFFFFFF  }
0xad: {  	s28 =	simm.s32 $_size_execute0_lowered;
	s4 =	sadd.s32 s4, s6;
	[dreg:$0x0] =	wrdreg $0x0  }
0xae: {  	s6 =	sshll.u32 s28, $0x1;
	[dreg:$0x2] =	wrdreg s4  }
0xaf: {  	[dreg:$0x3] =	wrdreg s6  }
0xb0: {  	[dreg:$0x4] =	wrdreg $0xC0  }
0xb1: {  	_ =	task [dreg:s8], $0x5FFFF  }
0xb2: {  	[dreg:$0x1] =	wrdreg $0xFFFFFFFF  }
0xb3: {  	[dreg:$0x0] =	wrdreg $0x60  }
0xb4: {  	[dreg:$0x2] =	wrdreg s17  }
0xb5: {  	[dreg:$0x3] =	wrdreg s24  }
0xb6: {  	[dreg:$0x4] =	wrdreg s16  }
0xb7: {  	[dreg:$0x5] =	wrdreg $0x68000  }
0xb8: {  	[dreg:$0x6] =	wrdreg $0x9  }
0xb9: {  	_ =	task.clear_ibuf [dreg:s8], $0x7FFFF;
	_ =	strace $0x90000046  }
0xba: {  	s29 =	simm.s32 $0x9;
	_ =	strace $0x80000048  }
0xbb: {  	_ =	swait.ge [sflag:s29], $0x1  }
0xbc: {  	[sflag:s29] =	ssyncadd.s32 $0xFFFFFFFF  }
0xbd: {  	_ =	strace $0x90000048  }
0xbe: {  	_ =	sfence  }
0xbf: {  	s30 =	sld [smem:$0x0];
	_ =	sdelay $0x2  }
0xc0: {  	s31 =	sshll.u32 s1, $0xD;
	s1 =	sshrl.u32 s1, $0x2  }
0xc1: {  	s3 =	sand.u32 $0x4000, s31;
	s1 =	sadd.s32 s1, s30  }
0xc2: {  	s0 =	sor.u32 s3, s0;
	s1 =	sshll.u32 s1, $0x11  }
0xc3: {  	s0 =	sor.u32 s1, s0  }
0xc4: {  	s0 =	sadd.s32 $0x8F2B, s0  }
0xc5: {  	[sflag:s0] =	ssyncadd.remote.s32 $0x1  }
0xc6: {  	_ =	sfence.sel $0xFFFF  }
0xc7: {  	[dreg:$0x0] =	wrdreg $0xFFFFFFFF;
	(pc) =	sbr.abs _section_cstart, $3  }
0xc8: {  	[dreg:$0x1] =	wrdreg $0xFFFFFFFF  }
0xc9: {  	_ =	task.clear_ibuf [dreg:s8], $0x2FFFF;
	_ =	strace $0x9FFFFFFF  }
0xca: {  	(tm) =	ssettm $0x7FFFFFFF  }
0xcb: {  	_ =	shalt  }
tec
execute0_lowered:
.L_overlay_start_1:
0x0: {  	(tag) =	ssettag $0x1  }
0x1: {  	s4 =	rddreg [dreg:$0x0]  }
0x2: {  	s3 =	rddreg [dreg:$0x1]  }
0x3: {  	s5 =	rddreg [dreg:$0x2]  }
0x4: {  	s1 =	rddreg [dreg:$0x3]  }
0x5: {  	s0 =	rddreg [dreg:$0x4];
	s2 =	simm.s32 $0x0;
	s6 =	srdreg.scid  }
0x6: {  	s7 =	stileid.u32;
	[smem:$0x7FF] =	sst s2;
	s6 =	sand.u32 $0x1, s6  }
0x7: {  	s3 =	sadd.s32 $0xB400, s3;
	s10 =	sshll.u32 s7, $0xB;
	p0 =	sne.s32 s7, $0x0  }
0x8: {  	s7 =	simm.s32 $0x2;
	_ =	strace $0x80000047;
	s8 =	ssub.s32 $0x2, s6  }
0x9: {  	s11 =	smul.u32 $0x4E2, s6;
	s6 =	sshll.u32 s6, $0xF;
	s4 =	sadd.s32 s4, s10  }
0xa: {  	s10 =	simm.s32 $0x1;
	s9 =	sshrl.u32 s8, $0x1;
	s4 =	sadd.s32 s6, s4  }
0xb: {  	s8 =	ssub.s32 s8, s9;
	s5 =	sadd.s32 s5, s11;
	s9 =	simm.s32 $0x4000  }
0xc: {  	v0 =	vimm.f32 $1.000000000e+00;
	s11 =	simm.s32 $0x0;
	s6 =	smax.u32 s8, $0x1;
	s8 =	simm.s32 $0x50  }
.LBB2_1:
0xd: {  	s12 =	simm.s32 @!p0 $0x0;
	s13 =	simm.s32 @!p0 $0x4080  }
0xe: {  	[tilespmem:s13], [sflag:$0x2] =	stream.linear.gather @!p0 [hbm4b:s3+s12], $0x2780, $0x38;
	[tilespmem:$0x6A78] =	vst v63  }
0xf: {  	s12 =	simm.s32 @!p0 $0x2  }
0x10: {  	_ =	swait.ge @!p0 [sflag:s12], $0x2780  }
0x11: {  	[sflag:s12] =	ssyncset.done @!p0 $0x0  }
0x12: {  	[sflag:s12] =	ssyncadd.s32 @!p0 $0xFFFFD880  }
0x13: {  	[spmem:s1] =	stream.linear.scatter @!p0 [tilespmem:s13], [sflag:$0x2], $0x2780, $0x38;
	[tilespmem:$0x6A78] =	vst v63  }
0x14: {  	_ =	swait.ge @!p0 [sflag:s12], $0x2780  }
0x15: {  	[sflag:s12] =	ssyncset.done @!p0 $0x0  }
0x16: {  	[sflag:s12] =	ssyncadd.s32 @!p0 $0xFFFFD880  }
0x17: {  	[tilespmem:s2], [sflag:$0x2] =	stream.linear.gather [hbm4b:s4+s2], $0x3E80, $0x38;
	[tilespmem:$0x6A78] =	vst v63  }
0x18: {  	_ =	swait.ge [sflag:s7], $0x3E80  }
0x19: {  	[sflag:s7] =	ssyncset.done $0x0  }
0x1a: {  	[sflag:s7] =	ssyncadd.s32 $0xFFFFC180  }
0x1b: {  	[tilespmem:$0x4000] =	vst v0  }
0x1c: {  	[tilespmem:$0x4010] =	vst v0  }
0x1d: {  	[tilespmem:$0x4020] =	vst v0  }
0x1e: {  	[tilespmem:$0x4030] =	vst v0  }
0x1f: {  	[tilespmem:$0x4040] =	vst v0  }
0x20: {  	[bflag:$0x0] =	sbarrier.arrive $0xFFFF  }
0x21: {  	[spmem:s1] =	stream.indirect.scatter.add.f32 [tilespmem:s9], [sflag:$0x1], $0x1, s2, s8, $0xb8;
	[tilespmem:$0x6A78] =	vst v63  }
0x22: {  	s31 =	simm.s32 $0x80  }
0x23: {  	[spmem:s1] =	stream.indirect.scatter.add.f32 [tilespmem:s9], [sflag:$0x1], $0x1, s31, s8, $0xb8;
	[tilespmem:$0x6A78] =	vst v63  }
0x24: {  	_ =	swait.ge [sflag:s10], $0x50  }
0x25: {  	s12 =	simm.s32 $0x400;
	[sflag:s10] =	ssyncset.done $0x0  }
.LBB2_2:
0x26: {  	s13 =	sshra.s32 s12, $0x2;
	[sflag:s10] =	ssyncadd.s32 $0xFFFFFFB0;
	p1 =	sne.s32 s12, $0xF800  }
0x27: {  	[spmem:s1] =	stream.indirect.scatter.add.f32 [tilespmem:s9], [sflag:$0x1], $0x1, s13, s8, $0xb8;
	[tilespmem:$0x6A78] =	vst v63  }
.Ltmp0:
0x28: {  	_ = 	snop;
	(pc) =	sbr.rel @p1 .LBB2_2-.Ltmp0, $4  }
0x29: {  	_ = 	snop  }
0x2a: {  	s12 =	sadd.s32 $0x200, s12  }
0x2b: {  	_ =	swait.ge [sflag:s10], $0x50  }
0x2c: {  	[sflag:s10] =	ssyncset.done $0x0  }
0x2d: {  	[sflag:s10] =	ssyncadd.s32 $0xFFFFFFB0  }
0x2e: {  	_ =	swait.ge [sflag:s10], $0x50  }
0x2f: {  	[sflag:s10] =	ssyncset.done $0x0  }
0x30: {  	[sflag:s10] =	ssyncadd.s32 $0xFFFFFFB0  }
0x31: {  	s12 =	simm.s32 @!p0 $0x4080;
	s13 =	simm.s32 @!p0 $0x2;
	[bflag:$0x0] =	sbarrier.arrive $0xFFFF  }
0x32: {  	[tilespmem:s12], [sflag:$0x2] =	stream.linear.gather @!p0 [spmem:s1], $0x2780, $0x38;
	[tilespmem:$0x6A78] =	vst v63  }
0x33: {  	s11 =	sadd.s32 $0x1, s11;
	_ =	swait.ge @!p0 [sflag:s13], $0x2780  }
0x34: {  	p1 =	sne.s32 s11, s6;
	[sflag:s13] =	ssyncset.done @!p0 $0x0  }
.Ltmp1:
0x35: {  	s14 =	simm.s32 @!p0 $0x0;
	[sflag:s13] =	ssyncadd.s32 @!p0 $0xFFFFD880;
	(pc) =	sbr.rel @p1 .LBB2_1-.Ltmp1, $4  }
0x36: {  	[hbm4b:s5+s14] =	stream.linear.scatter @!p0 [tilespmem:s12], [sflag:$0x2], $0x2710, $0x38;
	[tilespmem:$0x6A78] =	vst v63  }
0x37: {  	_ =	swait.ge @!p0 [sflag:s13], $0x2710  }
0x38: {  	[sflag:s13] =	ssyncset.done @!p0 $0x0  }
0x39: {  	[sflag:s13] =	ssyncadd.s32 @!p0 $0xFFFFD8F0  }
0x3a: {  	_ =	sfence.sel $0x180000  }
0x3b: {  	[bflag:$0x0] =	sbarrier.arrive $0xFFFF  }
0x3c: {  	_ =	strace $0x90000047  }
0x3d: {  	s0 =	sadd.s32 @!p0 $0x100000, s0;
	[bflag:$0x2] =	sbarrier.arrive $0xFFFF  }
0x3e: {  	[sflag:s0] =	ssyncadd.tile.s32 @!p0 $0x1;
	_ =	shalt  }
.Lfunc_end2:
_tile_overlayer_lowered:
.L_overlay_start_2:
0x3f: {  	(tag) =	ssettag $0x2  }
0x40: {  	s0 =	rddreg [dreg:$0x0];
	s2 =	stileid.u32  }
0x41: {  	s1 =	rddreg [dreg:$0x1];
	p0 =	sne.s32 s2, $0x0  }
0x42: {  	s3 =	rddreg [dreg:$0x2];
	[bflag:$0x3] =	sbarrier.arrive $0xFFFF;
	s2 =	simm.s32 @!p0 $0x1C02  }
0x43: {  	[timem:s3], [sflag:s2] =	dma.local @!p0 [hbm:s0], s1  }
0x44: {  	s0 =	simm.s32 @!p0 $0x2  }
0x45: {  	_ =	swait.ge @!p0 [sflag:s0], s1  }
0x46: {  	s1 =	ssub.s32 @!p0 $0x0, s1;
	[sflag:s0] =	ssyncset.done @!p0 $0x0  }
0x47: {  	[sflag:s0] =	ssyncadd.s32 @!p0 s1  }
0x48: {  	[bflag:$0x3] =	sbarrier.arrive $0xFFFF  }
0x49: {  	_ =	shalt  }

</sc_bundles>
